<compile_context>
chip_gen: v7x
topology: tpu7x:2x2x1
jax: 0.10.2.dev20260603
libtpu: 0.0.44.dev20260713+nightly
codegen_flags: <defaults>
</compile_context>

<pallas_src>
import math

import jax
import jax.numpy as jnp
from jax import lax
from jax.experimental import pallas as pl
from jax.experimental.pallas import tpu as pltpu
from jax.experimental.pallas import tpu_sc as plsc

VOCAB = 32000
D_MODEL = 2048
HEAD_DIM = 128
MAX_LEN = 4096
THETA = 10000.0
B = 4
S = 4096

NEG_MIN = float(jnp.finfo(jnp.float32).min)


_NC = 2
_NS = 16
_NW = _NC * _NS
_N_TOK = B * S
_PER_W = _N_TOK // _NW
_CH = 16
_NCH = _PER_W // _CH
_NBUF = 3
_PREF = 3


def _sc_gather_body(table_hbm, ids_hbm, out_hbm, idx_v, rows_v, gsem, osem):
    wid = lax.axis_index("s") * _NC + lax.axis_index("c")
    base = wid * _PER_W

    pltpu.sync_copy(ids_hbm.at[wid], idx_v)

    def gather_copy(c):
        b = c % _NBUF
        return pltpu.make_async_copy(
            table_hbm.at[idx_v.at[c]], rows_v.at[b], gsem.at[b])

    def out_copy(c):
        b = c % _NBUF
        return pltpu.make_async_copy(
            rows_v.at[b], out_hbm.at[pl.ds(base + c * _CH, _CH)], osem.at[b])

    for g in range(_PREF):
        gather_copy(g).start()

    def body(c, carry):
        gather_copy(c).wait()
        oc = out_copy(c)
        oc.start()
        oc.wait()

        @pl.when(c + _PREF < _NCH)
        def _():
            gather_copy(c + _PREF).start()

        return carry

    lax.fori_loop(0, _NCH, body, 0, unroll=False)


def _sc_gather(table, ids3):
    kern = pl.kernel(
        _sc_gather_body,
        out_type=jax.ShapeDtypeStruct((_N_TOK, D_MODEL), jnp.float32),
        mesh=plsc.VectorSubcoreMesh(core_axis_name="c", subcore_axis_name="s"),
        scratch_types=[
            pltpu.VMEM((_NCH, _CH), jnp.int32),
            pltpu.VMEM((_NBUF, _CH, D_MODEL), jnp.float32),
            pltpu.SemaphoreType.DMA((_NBUF,)),
            pltpu.SemaphoreType.DMA((_NBUF,)),
        ],
    )
    return kern(table, ids3)



_MBLK = 512
_HD2 = HEAD_DIM // 2


def _mask_body(o_ref):
    i = pl.program_id(0)
    rows = lax.broadcasted_iota(jnp.int32, (_MBLK, S), 0) + i * _MBLK
    cols = lax.broadcasted_iota(jnp.int32, (_MBLK, S), 1)
    o_ref[...] = jnp.where(cols > rows, NEG_MIN, 0.0).astype(jnp.float32)


def _make_mask():
    return pl.pallas_call(
        _mask_body,
        grid=(S // _MBLK,),
        out_specs=pl.BlockSpec((_MBLK, S), lambda i: (i, 0)),
        out_shape=jax.ShapeDtypeStruct((S, S), jnp.float32),
    )()


def _freqs_body(cos_ref, sin_ref):
    t = lax.broadcasted_iota(jnp.int32, (MAX_LEN, _HD2), 0).astype(jnp.float32)
    j = lax.broadcasted_iota(jnp.int32, (MAX_LEN, _HD2), 1).astype(jnp.float32)
    inv = jnp.exp(j * (-2.0 / HEAD_DIM * math.log(THETA)))
    f = t * inv
    cos_ref[...] = jnp.cos(f)
    sin_ref[...] = jnp.sin(f)


def _make_freqs():
    return pl.pallas_call(
        _freqs_body,
        out_shape=(
            jax.ShapeDtypeStruct((MAX_LEN, _HD2), jnp.float32),
            jax.ShapeDtypeStruct((MAX_LEN, _HD2), jnp.float32),
        ),
    )()




def kernel(input_ids, labels, table):
    ids3 = input_ids.reshape(_NW, _NCH, _CH).astype(jnp.int32)
    hidden = _sc_gather(table, ids3).reshape(B, S, D_MODEL)
    mask = _make_mask().reshape(1, 1, S, S)
    cos, sin = _make_freqs()
    freqs_cis = lax.complex(cos, sin)
    return (hidden, freqs_cis, mask, labels)

# --- scband reference (transcript-rebuilt; emitter-appended) ---
"""Pipeline reference for scband-embedding-pipeline-layer-962072674626 (READ-ONLY COPY).

The authoritative reference and input builder live on the scoring server;
editing this copy changes nothing except your own understanding.
"""

import jax, jax.numpy as jnp
import numpy as np

VOCAB = 32000
D_MODEL = 2048
HEAD_DIM = 128
MAX_LEN = 4096
THETA = 10000.0
B = 4
S = 4096


def precompute_freqs_cis(head_dim, max_len, theta=10000.0):
    # faithful to llama precompute_freqs_cis: complex64 [max_len, head_dim//2]
    freqs = 1.0 / (theta ** (jnp.arange(0, head_dim, 2, dtype=jnp.float32)[: head_dim // 2] / head_dim))
    t = jnp.arange(max_len, dtype=jnp.float32)
    freqs = jnp.outer(t, freqs)  # [max_len, head_dim//2]
    freqs_cis = jnp.exp(1j * freqs).astype(jnp.complex64)  # cos + i*sin
    return freqs_cis


def get_masks(seq_len, dtype=jnp.float32):
    # LLaMaTrainModel.get_masks: additive causal mask [1, 1, S, S]
    mask = jnp.full((seq_len, seq_len), jnp.finfo(dtype).min, dtype=dtype)
    mask = jnp.triu(mask, k=1)
    return mask[None, None, :, :]


def setup_inputs(seed: int = 0) -> dict:
    key = jax.random.key(seed)
    k1, k2, k3 = jax.random.split(key, 3)
    input_ids = jax.random.randint(k1, (B, S), 0, VOCAB)
    labels = jax.random.randint(k2, (B, S), 0, VOCAB)
    # learned parameter: token embedding table
    table = jax.random.normal(k3, (VOCAB, D_MODEL), dtype=jnp.float32) * 0.02
    return {"input_ids": input_ids, "labels": labels, "table": table}


def reference(input_ids, labels, table):
    # hidden_states = self.embedder(input_ids)
    hidden_states = jnp.take(table, input_ids, axis=0)  # [B, S, D_MODEL]
    # attention_mask = get_masks(input_ids.shape[1], ...)
    attention_mask = get_masks(input_ids.shape[1], hidden_states.dtype)
    # freqs_cis buffer (precomputed in __init__, moved to device in forward)
    freqs_cis = precompute_freqs_cis(HEAD_DIM, MAX_LEN, THETA)
    return (hidden_states, freqs_cis, attention_mask, labels)

if __name__ == "__main__":
    import jax
    _d = setup_inputs()
    print(jax.jit(kernel)(*tuple(_d.values())))

</pallas_src>

<mosaic_0001>
#map = affine_map<(d0, d1) -> (0, 0)>
#map1 = affine_map<(d0, d1) -> (0, 0, 0)>
module attributes {stable_mosaic.version = 14 : i64} {
  func.func @_sc_gather_body(%arg0: i32, %arg1: i32, %arg2: memref<32000x2048xf32, #tpu.memory_space<hbm>>, %arg3: memref<32x32x16xi32, #tpu.memory_space<hbm>>, %arg4: memref<16384x2048xf32, #tpu.memory_space<hbm>>, %arg5: memref<32x16xi32, #tpu.memory_space<vmem>>, %arg6: memref<3x16x2048xf32, #tpu.memory_space<vmem>>, %arg7: memref<3x!tpu.dma_semaphore, #tpu.memory_space<semaphore_mem>>, %arg8: memref<3x!tpu.dma_semaphore, #tpu.memory_space<semaphore_mem>>) attributes {dimension_semantics = [#tpu.dimension_semantics<core_parallel>, #tpu.dimension_semantics<subcore_parallel>], iteration_bounds = array<i64: 2, 16>, scalar_prefetch = 0 : i64, scratch_operands = 4 : i64, tpu.core_type = #tpu.core_type<sc_vector_subcore>, window_params = [{transform_indices = #map}, {transform_indices = #map1}, {transform_indices = #map}]} {
    %mul3A = arith.constant 2 : i32
    %mul3A_0 = arith.muli %arg1, %mul3A : i32
    %add3A = arith.addi %mul3A_0, %arg0 : i32
    %mul3A_1 = arith.constant 512 : i32
    %mul3A_2 = arith.muli %add3A, %mul3A_1 : i32
    "tpu.region"() ({
      %run_scoped3A = tpu.sem_alloc : memref<!tpu.dma_semaphore, #tpu.memory_space<semaphore_mem>>
      %dma_start3A_52 = arith.constant 0 : i32
      %dma_start3A_53 = arith.constant 0 : i32
      %dma_start3A_54 = tpu.memref_slice %arg3[%add3A, %dma_start3A_52, %dma_start3A_53] : memref<32x32x16xi32, #tpu.memory_space<hbm>> -> memref<1x32x16xi32, #tpu.memory_space<hbm>>
      %dma_start3A_55 = tpu.memref_squeeze %dma_start3A_54 : memref<1x32x16xi32, #tpu.memory_space<hbm>> -> memref<32x16xi32, #tpu.memory_space<hbm>>
      %dma_start3A_56 = arith.constant 0 : i32
      %dma_start3A_57 = arith.constant 0 : i32
      %dma_start3A_58 = tpu.memref_slice %arg3[%add3A, %dma_start3A_56, %dma_start3A_57] : memref<32x32x16xi32, #tpu.memory_space<hbm>> -> memref<1x32x16xi32, #tpu.memory_space<hbm>>
      %dma_start3A_59 = tpu.memref_squeeze %dma_start3A_58 : memref<1x32x16xi32, #tpu.memory_space<hbm>> -> memref<32x16xi32, #tpu.memory_space<hbm>>
      tpu.enqueue_dma source(%dma_start3A_59 : memref<32x16xi32, #tpu.memory_space<hbm>>) target(%arg5 : memref<32x16xi32, #tpu.memory_space<vmem>>) target_semaphore(%run_scoped3A : memref<!tpu.dma_semaphore, #tpu.memory_space<semaphore_mem>>)
      %dma_wait3A = arith.constant 0 : i32
      %dma_wait3A_60 = arith.constant 0 : i32
      %dma_wait3A_61 = tpu.memref_slice %arg3[%add3A, %dma_wait3A, %dma_wait3A_60] : memref<32x32x16xi32, #tpu.memory_space<hbm>> -> memref<1x32x16xi32, #tpu.memory_space<hbm>>
      %dma_wait3A_62 = tpu.memref_squeeze %dma_wait3A_61 : memref<1x32x16xi32, #tpu.memory_space<hbm>> -> memref<32x16xi32, #tpu.memory_space<hbm>>
      %dma_wait3A_63 = arith.constant 0 : i32
      %dma_wait3A_64 = arith.constant 0 : i32
      %dma_wait3A_65 = tpu.memref_slice %arg3[%add3A, %dma_wait3A_63, %dma_wait3A_64] : memref<32x32x16xi32, #tpu.memory_space<hbm>> -> memref<1x32x16xi32, #tpu.memory_space<hbm>>
      %dma_wait3A_66 = tpu.memref_squeeze %dma_wait3A_65 : memref<1x32x16xi32, #tpu.memory_space<hbm>> -> memref<32x16xi32, #tpu.memory_space<hbm>>
      tpu.wait_dma2 semaphore(%run_scoped3A : memref<!tpu.dma_semaphore, #tpu.memory_space<semaphore_mem>>) src(%dma_wait3A_66 : memref<32x16xi32, #tpu.memory_space<hbm>>) dst(%arg5 : memref<32x16xi32, #tpu.memory_space<vmem>>)
      tpu.yield
    }) : () -> ()
    %dma_start3A = arith.constant 0 : i32
    %dma_start3A_3 = arith.constant 0 : i32
    %dma_start3A_4 = arith.constant 0 : i32
    %dma_start3A_5 = arith.constant 0 : i32
    %dma_start3A_6 = arith.constant 0 : i32
    %dma_start3A_7 = tpu.memref_slice %arg6[%dma_start3A_3, %dma_start3A_5, %dma_start3A_6] : memref<3x16x2048xf32, #tpu.memory_space<vmem>> -> memref<1x16x2048xf32, #tpu.memory_space<vmem>>
    %dma_start3A_8 = tpu.memref_squeeze %dma_start3A_7 : memref<1x16x2048xf32, #tpu.memory_space<vmem>> -> memref<16x2048xf32, #tpu.memory_space<vmem>>
    %dma_start3A_9 = arith.constant 0 : i32
    %dma_start3A_10 = tpu.memref_slice %arg5[%dma_start3A, %dma_start3A_9] : memref<32x16xi32, #tpu.memory_space<vmem>> -> memref<1x16xi32, #tpu.memory_space<vmem>>
    %dma_start3A_11 = tpu.memref_squeeze %dma_start3A_10 : memref<1x16xi32, #tpu.memory_space<vmem>> -> memref<16xi32, #tpu.memory_space<vmem>>
    %dma_start3A_12 = arith.constant 0 : i32
    %dma_start3A_13 = arith.constant 0 : i32
    %dma_start3A_14 = tpu.memref_slice %arg2[%dma_start3A_12, %dma_start3A_13] : memref<32000x2048xf32, #tpu.memory_space<hbm>> -> memref<32000x2048xf32, #tpu.memory_space<hbm>>
    %dma_start3A_15 = tpu.memref_slice %arg7[%dma_start3A_4] : memref<3x!tpu.dma_semaphore, #tpu.memory_space<semaphore_mem>> -> memref<1x!tpu.dma_semaphore, #tpu.memory_space<semaphore_mem>>
    %dma_start3A_16 = tpu.memref_squeeze %dma_start3A_15 : memref<1x!tpu.dma_semaphore, #tpu.memory_space<semaphore_mem>> -> memref<!tpu.dma_semaphore, #tpu.memory_space<semaphore_mem>>
    tpu.enqueue_indirect_dma source(%dma_start3A_14 : memref<32000x2048xf32, #tpu.memory_space<hbm>>) target(%dma_start3A_8 : memref<16x2048xf32, #tpu.memory_space<vmem>>) offsets(%dma_start3A_11 : memref<16xi32, #tpu.memory_space<vmem>>) semaphore(%dma_start3A_16 : memref<!tpu.dma_semaphore, #tpu.memory_space<semaphore_mem>>)
    %dma_start3A_17 = arith.constant 1 : i32
    %dma_start3A_18 = arith.constant 1 : i32
    %dma_start3A_19 = arith.constant 1 : i32
    %dma_start3A_20 = arith.constant 0 : i32
    %dma_start3A_21 = arith.constant 0 : i32
    %dma_start3A_22 = tpu.memref_slice %arg6[%dma_start3A_18, %dma_start3A_20, %dma_start3A_21] : memref<3x16x2048xf32, #tpu.memory_space<vmem>> -> memref<1x16x2048xf32, #tpu.memory_space<vmem>>
    %dma_start3A_23 = tpu.memref_squeeze %dma_start3A_22 : memref<1x16x2048xf32, #tpu.memory_space<vmem>> -> memref<16x2048xf32, #tpu.memory_space<vmem>>
    %dma_start3A_24 = arith.constant 0 : i32
    %dma_start3A_25 = tpu.memref_slice %arg5[%dma_start3A_17, %dma_start3A_24] : memref<32x16xi32, #tpu.memory_space<vmem>> -> memref<1x16xi32, #tpu.memory_space<vmem>>
    %dma_start3A_26 = tpu.memref_squeeze %dma_start3A_25 : memref<1x16xi32, #tpu.memory_space<vmem>> -> memref<16xi32, #tpu.memory_space<vmem>>
    %dma_start3A_27 = arith.constant 0 : i32
    %dma_start3A_28 = arith.constant 0 : i32
    %dma_start3A_29 = tpu.memref_slice %arg2[%dma_start3A_27, %dma_start3A_28] : memref<32000x2048xf32, #tpu.memory_space<hbm>> -> memref<32000x2048xf32, #tpu.memory_space<hbm>>
    %dma_start3A_30 = tpu.memref_slice %arg7[%dma_start3A_19] : memref<3x!tpu.dma_semaphore, #tpu.memory_space<semaphore_mem>> -> memref<1x!tpu.dma_semaphore, #tpu.memory_space<semaphore_mem>>
    %dma_start3A_31 = tpu.memref_squeeze %dma_start3A_30 : memref<1x!tpu.dma_semaphore, #tpu.memory_space<semaphore_mem>> -> memref<!tpu.dma_semaphore, #tpu.memory_space<semaphore_mem>>
    tpu.enqueue_indirect_dma source(%dma_start3A_29 : memref<32000x2048xf32, #tpu.memory_space<hbm>>) target(%dma_start3A_23 : memref<16x2048xf32, #tpu.memory_space<vmem>>) offsets(%dma_start3A_26 : memref<16xi32, #tpu.memory_space<vmem>>) semaphore(%dma_start3A_31 : memref<!tpu.dma_semaphore, #tpu.memory_space<semaphore_mem>>)
    %dma_start3A_32 = arith.constant 2 : i32
    %dma_start3A_33 = arith.constant 2 : i32
    %dma_start3A_34 = arith.constant 2 : i32
    %dma_start3A_35 = arith.constant 0 : i32
    %dma_start3A_36 = arith.constant 0 : i32
    %dma_start3A_37 = tpu.memref_slice %arg6[%dma_start3A_33, %dma_start3A_35, %dma_start3A_36] : memref<3x16x2048xf32, #tpu.memory_space<vmem>> -> memref<1x16x2048xf32, #tpu.memory_space<vmem>>
    %dma_start3A_38 = tpu.memref_squeeze %dma_start3A_37 : memref<1x16x2048xf32, #tpu.memory_space<vmem>> -> memref<16x2048xf32, #tpu.memory_space<vmem>>
    %dma_start3A_39 = arith.constant 0 : i32
    %dma_start3A_40 = tpu.memref_slice %arg5[%dma_start3A_32, %dma_start3A_39] : memref<32x16xi32, #tpu.memory_space<vmem>> -> memref<1x16xi32, #tpu.memory_space<vmem>>
    %dma_start3A_41 = tpu.memref_squeeze %dma_start3A_40 : memref<1x16xi32, #tpu.memory_space<vmem>> -> memref<16xi32, #tpu.memory_space<vmem>>
    %dma_start3A_42 = arith.constant 0 : i32
    %dma_start3A_43 = arith.constant 0 : i32
    %dma_start3A_44 = tpu.memref_slice %arg2[%dma_start3A_42, %dma_start3A_43] : memref<32000x2048xf32, #tpu.memory_space<hbm>> -> memref<32000x2048xf32, #tpu.memory_space<hbm>>
    %dma_start3A_45 = tpu.memref_slice %arg7[%dma_start3A_34] : memref<3x!tpu.dma_semaphore, #tpu.memory_space<semaphore_mem>> -> memref<1x!tpu.dma_semaphore, #tpu.memory_space<semaphore_mem>>
    %dma_start3A_46 = tpu.memref_squeeze %dma_start3A_45 : memref<1x!tpu.dma_semaphore, #tpu.memory_space<semaphore_mem>> -> memref<!tpu.dma_semaphore, #tpu.memory_space<semaphore_mem>>
    tpu.enqueue_indirect_dma source(%dma_start3A_44 : memref<32000x2048xf32, #tpu.memory_space<hbm>>) target(%dma_start3A_38 : memref<16x2048xf32, #tpu.memory_space<vmem>>) offsets(%dma_start3A_41 : memref<16xi32, #tpu.memory_space<vmem>>) semaphore(%dma_start3A_46 : memref<!tpu.dma_semaphore, #tpu.memory_space<semaphore_mem>>)
    %scan3A = arith.constant 0 : i32
    %scan3A_47 = arith.constant 0 : i32
    %scan3A_48 = arith.constant 32 : i32
    %scan3A_49 = arith.addi %scan3A_47, %scan3A_48 : i32
    %scan3A_50 = arith.constant 1 : i32
    scf.for %scan3A_52 = %scan3A_47 to %scan3A_49 step %scan3A_50  : i32 {
      %jit3A = arith.constant 3 : i32
      %eq3A = arith.constant 0 : i32
      %eq3A_53 = arith.cmpi eq, %jit3A, %eq3A : i32
      %jit3A_54 = arith.constant 1 : i32
      %select_n3A = arith.select %eq3A_53, %jit3A_54, %jit3A : i32
      %rem3A = arith.remsi %scan3A_52, %select_n3A : i32
      %ne3A = arith.constant 0 : i32
      %ne3A_55 = arith.cmpi ne, %rem3A, %ne3A : i32
      %lt3A = arith.constant 0 : i32
      %lt3A_56 = arith.cmpi slt, %rem3A, %lt3A : i32
      %lt3A_57 = arith.constant 0 : i32
      %lt3A_58 = arith.cmpi slt, %select_n3A, %lt3A_57 : i32
      %ne3A_59 = arith.xori %lt3A_56, %lt3A_58 : i1
      %and3A = arith.andi %ne3A_59, %ne3A_55 : i1
      %add3A_60 = arith.addi %rem3A, %select_n3A : i32
      %select_n3A_61 = arith.select %and3A, %add3A_60, %rem3A : i32
      %dma_wait3A = arith.constant 0 : i32
      %dma_wait3A_62 = arith.constant 0 : i32
      %dma_wait3A_63 = tpu.memref_slice %arg6[%select_n3A_61, %dma_wait3A, %dma_wait3A_62] : memref<3x16x2048xf32, #tpu.memory_space<vmem>> -> memref<1x16x2048xf32, #tpu.memory_space<vmem>>
      %dma_wait3A_64 = tpu.memref_squeeze %dma_wait3A_63 : memref<1x16x2048xf32, #tpu.memory_space<vmem>> -> memref<16x2048xf32, #tpu.memory_space<vmem>>
      %dma_wait3A_65 = arith.constant 0 : i32
      %dma_wait3A_66 = tpu.memref_slice %arg5[%scan3A_52, %dma_wait3A_65] : memref<32x16xi32, #tpu.memory_space<vmem>> -> memref<1x16xi32, #tpu.memory_space<vmem>>
      %dma_wait3A_67 = tpu.memref_squeeze %dma_wait3A_66 : memref<1x16xi32, #tpu.memory_space<vmem>> -> memref<16xi32, #tpu.memory_space<vmem>>
      %dma_wait3A_68 = arith.constant 0 : i32
      %dma_wait3A_69 = arith.constant 0 : i32
      %dma_wait3A_70 = tpu.memref_slice %arg2[%dma_wait3A_68, %dma_wait3A_69] : memref<32000x2048xf32, #tpu.memory_space<hbm>> -> memref<32000x2048xf32, #tpu.memory_space<hbm>>
      %dma_wait3A_71 = tpu.memref_slice %arg7[%select_n3A_61] : memref<3x!tpu.dma_semaphore, #tpu.memory_space<semaphore_mem>> -> memref<1x!tpu.dma_semaphore, #tpu.memory_space<semaphore_mem>>
      %dma_wait3A_72 = tpu.memref_squeeze %dma_wait3A_71 : memref<1x!tpu.dma_semaphore, #tpu.memory_space<semaphore_mem>> -> memref<!tpu.dma_semaphore, #tpu.memory_space<semaphore_mem>>
      tpu.wait_indirect_dma semaphore(%dma_wait3A_72 : memref<!tpu.dma_semaphore, #tpu.memory_space<semaphore_mem>>) src(%dma_wait3A_70 : memref<32000x2048xf32, #tpu.memory_space<hbm>>) dst(%dma_wait3A_64 : memref<16x2048xf32, #tpu.memory_space<vmem>>)
      %jit3A_73 = arith.constant 3 : i32
      %eq3A_74 = arith.constant 0 : i32
      %eq3A_75 = arith.cmpi eq, %jit3A_73, %eq3A_74 : i32
      %jit3A_76 = arith.constant 1 : i32
      %select_n3A_77 = arith.select %eq3A_75, %jit3A_76, %jit3A_73 : i32
      %rem3A_78 = arith.remsi %scan3A_52, %select_n3A_77 : i32
      %ne3A_79 = arith.constant 0 : i32
      %ne3A_80 = arith.cmpi ne, %rem3A_78, %ne3A_79 : i32
      %lt3A_81 = arith.constant 0 : i32
      %lt3A_82 = arith.cmpi slt, %rem3A_78, %lt3A_81 : i32
      %lt3A_83 = arith.constant 0 : i32
      %lt3A_84 = arith.cmpi slt, %select_n3A_77, %lt3A_83 : i32
      %ne3A_85 = arith.xori %lt3A_82, %lt3A_84 : i1
      %and3A_86 = arith.andi %ne3A_85, %ne3A_80 : i1
      %add3A_87 = arith.addi %rem3A_78, %select_n3A_77 : i32
      %select_n3A_88 = arith.select %and3A_86, %add3A_87, %rem3A_78 : i32
      %mul3A_89 = arith.constant 16 : i32
      %mul3A_90 = arith.muli %scan3A_52, %mul3A_89 : i32
      %add3A_91 = arith.addi %mul3A_2, %mul3A_90 : i32
      %dma_start3A_92 = arith.constant 0 : i32
      %dma_start3A_93 = arith.constant 0 : i32
      %dma_start3A_94 = tpu.memref_slice %arg6[%select_n3A_88, %dma_start3A_92, %dma_start3A_93] : memref<3x16x2048xf32, #tpu.memory_space<vmem>> -> memref<1x16x2048xf32, #tpu.memory_space<vmem>>
      %dma_start3A_95 = tpu.memref_squeeze %dma_start3A_94 : memref<1x16x2048xf32, #tpu.memory_space<vmem>> -> memref<16x2048xf32, #tpu.memory_space<vmem>>
      %dma_start3A_96 = arith.constant 0 : i32
      %dma_start3A_97 = tpu.memref_slice %arg4[%add3A_91, %dma_start3A_96] : memref<16384x2048xf32, #tpu.memory_space<hbm>> -> memref<16x2048xf32, #tpu.memory_space<hbm>>
      %dma_start3A_98 = tpu.memref_slice %arg8[%select_n3A_88] : memref<3x!tpu.dma_semaphore, #tpu.memory_space<semaphore_mem>> -> memref<1x!tpu.dma_semaphore, #tpu.memory_space<semaphore_mem>>
      %dma_start3A_99 = tpu.memref_squeeze %dma_start3A_98 : memref<1x!tpu.dma_semaphore, #tpu.memory_space<semaphore_mem>> -> memref<!tpu.dma_semaphore, #tpu.memory_space<semaphore_mem>>
      %dma_start3A_100 = arith.constant 0 : i32
      %dma_start3A_101 = tpu.memref_slice %arg4[%add3A_91, %dma_start3A_100] : memref<16384x2048xf32, #tpu.memory_space<hbm>> -> memref<16x2048xf32, #tpu.memory_space<hbm>>
      %dma_start3A_102 = arith.constant 0 : i32
      %dma_start3A_103 = arith.constant 0 : i32
      %dma_start3A_104 = tpu.memref_slice %arg6[%select_n3A_88, %dma_start3A_102, %dma_start3A_103] : memref<3x16x2048xf32, #tpu.memory_space<vmem>> -> memref<1x16x2048xf32, #tpu.memory_space<vmem>>
      %dma_start3A_105 = tpu.memref_squeeze %dma_start3A_104 : memref<1x16x2048xf32, #tpu.memory_space<vmem>> -> memref<16x2048xf32, #tpu.memory_space<vmem>>
      tpu.enqueue_dma source(%dma_start3A_105 : memref<16x2048xf32, #tpu.memory_space<vmem>>) target(%dma_start3A_101 : memref<16x2048xf32, #tpu.memory_space<hbm>>) target_semaphore(%dma_start3A_99 : memref<!tpu.dma_semaphore, #tpu.memory_space<semaphore_mem>>)
      %dma_wait3A_106 = arith.constant 0 : i32
      %dma_wait3A_107 = arith.constant 0 : i32
      %dma_wait3A_108 = tpu.memref_slice %arg6[%select_n3A_88, %dma_wait3A_106, %dma_wait3A_107] : memref<3x16x2048xf32, #tpu.memory_space<vmem>> -> memref<1x16x2048xf32, #tpu.memory_space<vmem>>
      %dma_wait3A_109 = tpu.memref_squeeze %dma_wait3A_108 : memref<1x16x2048xf32, #tpu.memory_space<vmem>> -> memref<16x2048xf32, #tpu.memory_space<vmem>>
      %dma_wait3A_110 = arith.constant 0 : i32
      %dma_wait3A_111 = tpu.memref_slice %arg4[%add3A_91, %dma_wait3A_110] : memref<16384x2048xf32, #tpu.memory_space<hbm>> -> memref<16x2048xf32, #tpu.memory_space<hbm>>
      %dma_wait3A_112 = tpu.memref_slice %arg8[%select_n3A_88] : memref<3x!tpu.dma_semaphore, #tpu.memory_space<semaphore_mem>> -> memref<1x!tpu.dma_semaphore, #tpu.memory_space<semaphore_mem>>
      %dma_wait3A_113 = tpu.memref_squeeze %dma_wait3A_112 : memref<1x!tpu.dma_semaphore, #tpu.memory_space<semaphore_mem>> -> memref<!tpu.dma_semaphore, #tpu.memory_space<semaphore_mem>>
      %dma_wait3A_114 = arith.constant 0 : i32
      %dma_wait3A_115 = tpu.memref_slice %arg4[%add3A_91, %dma_wait3A_114] : memref<16384x2048xf32, #tpu.memory_space<hbm>> -> memref<16x2048xf32, #tpu.memory_space<hbm>>
      %dma_wait3A_116 = arith.constant 0 : i32
      %dma_wait3A_117 = arith.constant 0 : i32
      %dma_wait3A_118 = tpu.memref_slice %arg6[%select_n3A_88, %dma_wait3A_116, %dma_wait3A_117] : memref<3x16x2048xf32, #tpu.memory_space<vmem>> -> memref<1x16x2048xf32, #tpu.memory_space<vmem>>
      %dma_wait3A_119 = tpu.memref_squeeze %dma_wait3A_118 : memref<1x16x2048xf32, #tpu.memory_space<vmem>> -> memref<16x2048xf32, #tpu.memory_space<vmem>>
      tpu.wait_dma2 semaphore(%dma_wait3A_113 : memref<!tpu.dma_semaphore, #tpu.memory_space<semaphore_mem>>) src(%dma_wait3A_119 : memref<16x2048xf32, #tpu.memory_space<vmem>>) dst(%dma_wait3A_115 : memref<16x2048xf32, #tpu.memory_space<hbm>>)
      %add3A_120 = arith.constant 3 : i32
      %add3A_121 = arith.addi %scan3A_52, %add3A_120 : i32
      %lt3A_122 = arith.constant 32 : i32
      %lt3A_123 = arith.cmpi slt, %add3A_121, %lt3A_122 : i32
      %convert_element_type3A = arith.extui %lt3A_123 : i1 to i32
      %cond3A = arith.constant 0 : i32
      %cond3A_124 = arith.cmpi ne, %convert_element_type3A, %cond3A : i32
      scf.if %cond3A_124 {
        %add3A_125 = arith.constant 3 : i32
        %add3A_126 = arith.addi %scan3A_52, %add3A_125 : i32
        %jit3A_127 = arith.constant 3 : i32
        %eq3A_128 = arith.constant 0 : i32
        %eq3A_129 = arith.cmpi eq, %jit3A_127, %eq3A_128 : i32
        %jit3A_130 = arith.constant 1 : i32
        %select_n3A_131 = arith.select %eq3A_129, %jit3A_130, %jit3A_127 : i32
        %rem3A_132 = arith.remsi %add3A_126, %select_n3A_131 : i32
        %ne3A_133 = arith.constant 0 : i32
        %ne3A_134 = arith.cmpi ne, %rem3A_132, %ne3A_133 : i32
        %lt3A_135 = arith.constant 0 : i32
        %lt3A_136 = arith.cmpi slt, %rem3A_132, %lt3A_135 : i32
        %lt3A_137 = arith.constant 0 : i32
        %lt3A_138 = arith.cmpi slt, %select_n3A_131, %lt3A_137 : i32
        %ne3A_139 = arith.xori %lt3A_136, %lt3A_138 : i1
        %and3A_140 = arith.andi %ne3A_139, %ne3A_134 : i1
        %add3A_141 = arith.addi %rem3A_132, %select_n3A_131 : i32
        %select_n3A_142 = arith.select %and3A_140, %add3A_141, %rem3A_132 : i32
        %dma_start3A_143 = arith.constant 0 : i32
        %dma_start3A_144 = arith.constant 0 : i32
        %dma_start3A_145 = tpu.memref_slice %arg6[%select_n3A_142, %dma_start3A_143, %dma_start3A_144] : memref<3x16x2048xf32, #tpu.memory_space<vmem>> -> memref<1x16x2048xf32, #tpu.memory_space<vmem>>
        %dma_start3A_146 = tpu.memref_squeeze %dma_start3A_145 : memref<1x16x2048xf32, #tpu.memory_space<vmem>> -> memref<16x2048xf32, #tpu.memory_space<vmem>>
        %dma_start3A_147 = arith.constant 0 : i32
        %dma_start3A_148 = tpu.memref_slice %arg5[%add3A_126, %dma_start3A_147] : memref<32x16xi32, #tpu.memory_space<vmem>> -> memref<1x16xi32, #tpu.memory_space<vmem>>
        %dma_start3A_149 = tpu.memref_squeeze %dma_start3A_148 : memref<1x16xi32, #tpu.memory_space<vmem>> -> memref<16xi32, #tpu.memory_space<vmem>>
        %dma_start3A_150 = arith.constant 0 : i32
        %dma_start3A_151 = arith.constant 0 : i32
        %dma_start3A_152 = tpu.memref_slice %arg2[%dma_start3A_150, %dma_start3A_151] : memref<32000x2048xf32, #tpu.memory_space<hbm>> -> memref<32000x2048xf32, #tpu.memory_space<hbm>>
        %dma_start3A_153 = tpu.memref_slice %arg7[%select_n3A_142] : memref<3x!tpu.dma_semaphore, #tpu.memory_space<semaphore_mem>> -> memref<1x!tpu.dma_semaphore, #tpu.memory_space<semaphore_mem>>
        %dma_start3A_154 = tpu.memref_squeeze %dma_start3A_153 : memref<1x!tpu.dma_semaphore, #tpu.memory_space<semaphore_mem>> -> memref<!tpu.dma_semaphore, #tpu.memory_space<semaphore_mem>>
        tpu.enqueue_indirect_dma source(%dma_start3A_152 : memref<32000x2048xf32, #tpu.memory_space<hbm>>) target(%dma_start3A_146 : memref<16x2048xf32, #tpu.memory_space<vmem>>) offsets(%dma_start3A_149 : memref<16xi32, #tpu.memory_space<vmem>>) semaphore(%dma_start3A_154 : memref<!tpu.dma_semaphore, #tpu.memory_space<semaphore_mem>>)
      } else {
      }
    }
    %scan3A_51 = arith.constant 32 : i32
    return
  }
}

module attributes {stable_mosaic.version = 14 : i64} {
  func.func @_mask_body(%arg0: i32, %arg1: memref<512x4096xf32, #tpu.memory_space<vmem>>) attributes {dimension_semantics = [#tpu.dimension_semantics<arbitrary>], iteration_bounds = array<i64: 8>, scalar_prefetch = 0 : i64, scratch_operands = 0 : i64, tpu.core_type = #tpu.core_type<tc>, window_params = [{transform_indices = @transform_0, window_bounds = array<i64: 512, 4096>}]} {
    %iota3A = tpu.iota {dimensions = array<i32: 0>} : vector<512x4096xi32>
    %mul3A = arith.constant 512 : i32
    %mul3A_0 = arith.muli %arg0, %mul3A : i32
    %add3A = vector.broadcast %mul3A_0 : i32 to vector<512x4096xi32>
    %add3A_1 = arith.addi %iota3A, %add3A : vector<512x4096xi32>
    %iota3A_2 = tpu.iota {dimensions = array<i32: 1>} : vector<512x4096xi32>
    %gt3A = arith.cmpi sgt, %iota3A_2, %add3A_1 : vector<512x4096xi32>
    %jit3A = arith.constant -3.40282347E+38 : f32
    %jit3A_3 = arith.constant 0.000000e+00 : f32
    %broadcast_in_dim3A = vector.broadcast %jit3A : f32 to vector<512x4096xf32>
    %broadcast_in_dim3A_4 = vector.broadcast %jit3A_3 : f32 to vector<512x4096xf32>
    %select_n3A = arith.select %gt3A, %broadcast_in_dim3A, %broadcast_in_dim3A_4 : vector<512x4096xi1>, vector<512x4096xf32>
    %swap3A = arith.constant 0 : index
    %swap3A_5 = arith.constant 0 : index
    %swap3A_6 = vector.load %arg1[%swap3A, %swap3A_5] : memref<512x4096xf32, #tpu.memory_space<vmem>>, vector<512x4096xf32>
    tpu.vector_store %arg1[%swap3A, %swap3A_5], %select_n3A {strides = array<i32>} : memref<512x4096xf32, #tpu.memory_space<vmem>>, vector<512x4096xf32>,
    return
  }
  func.func @transform_0(%arg0: i32) -> (i32, i32) {
    %c0_i32 = arith.constant 0 : i32
    %c0_i32_0 = arith.constant 0 : i32
    return %arg0, %c0_i32 : i32, i32
  }
}

module attributes {stable_mosaic.version = 14 : i64} {
  func.func @_freqs_body(%arg0: memref<4096x64xf32, #tpu.memory_space<vmem>>, %arg1: memref<4096x64xf32, #tpu.memory_space<vmem>>) attributes {dimension_semantics = [], scalar_prefetch = 0 : i64, scratch_operands = 0 : i64, tpu.core_type = #tpu.core_type<tc>} {
    %iota3A = tpu.iota {dimensions = array<i32: 0>} : vector<4096x64xi32>
    %convert_element_type3A = arith.sitofp %iota3A : vector<4096x64xi32> to vector<4096x64xf32>
    %iota3A_0 = tpu.iota {dimensions = array<i32: 1>} : vector<4096x64xi32>
    %convert_element_type3A_1 = arith.sitofp %iota3A_0 : vector<4096x64xi32> to vector<4096x64xf32>
    %mul3A = arith.constant -0.14391157 : f32
    %mul3A_2 = vector.broadcast %mul3A : f32 to vector<4096x64xf32>
    %mul3A_3 = arith.mulf %convert_element_type3A_1, %mul3A_2 : vector<4096x64xf32>
    %exp3A = math.exp %mul3A_3 : vector<4096x64xf32>
    %mul3A_4 = arith.mulf %convert_element_type3A, %exp3A : vector<4096x64xf32>
    %cos3A = math.cos %mul3A_4 : vector<4096x64xf32>
    %swap3A = arith.constant 0 : index
    %swap3A_5 = arith.constant 0 : index
    %swap3A_6 = vector.load %arg0[%swap3A, %swap3A_5] : memref<4096x64xf32, #tpu.memory_space<vmem>>, vector<4096x64xf32>
    tpu.vector_store %arg0[%swap3A, %swap3A_5], %cos3A {strides = array<i32>} : memref<4096x64xf32, #tpu.memory_space<vmem>>, vector<4096x64xf32>,
    %sin3A = math.sin %mul3A_4 : vector<4096x64xf32>
    %swap3A_7 = arith.constant 0 : index
    %swap3A_8 = arith.constant 0 : index
    %swap3A_9 = vector.load %arg1[%swap3A_7, %swap3A_8] : memref<4096x64xf32, #tpu.memory_space<vmem>>, vector<4096x64xf32>
    tpu.vector_store %arg1[%swap3A_7, %swap3A_8], %sin3A {strides = array<i32>} : memref<4096x64xf32, #tpu.memory_space<vmem>>, vector<4096x64xf32>,
    return
  }
}

</mosaic_0001>

<sc_bundles>
// kernel: kernel.5.cloned.1.call-start
scs
__scs_entry_jumppad:
0x0: {  	(pc) =	sbr.rel $0x88, $3  }
0x1: {  	(tag) =	ssettag $0x0;
	lr =	simm.s32 $0x1  }
0x2: {  	[smem:$0x3F9E] =	sst lr;
	_ =	strace $0xD0000000  }
0x3: {  	_ = 	snop  }
0x4: {  	_ = 	snop  }
0x5: {  	_ = 	snop  }
0x6: {  	_ = 	snop  }
0x7: {  	_ = 	snop  }
__scs_overlays_trampoline_lowered:
0x8: {  	[smem:$0x3FAD] =	sst s0  }
0x9: {  	[smem:$0x3FAE] =	sst s1  }
0xa: {  	[smem:$0x3FAF] =	sst s2  }
0xb: {  	[smem:$0x3FB0] =	sst s3  }
0xc: {  	[smem:$0x3FB1] =	sst s4  }
0xd: {  	[smem:$0x3FB2] =	sst s5  }
0xe: {  	[smem:$0x3FB3] =	sst s6  }
0xf: {  	[smem:$0x3FB4] =	sst s7  }
0x10: {  	[smem:$0x3FB5] =	sst s8  }
0x11: {  	[smem:$0x3FB6] =	sst s9;
	s0 =	simm.s32 @!p0 $0x0  }
0x12: {  	s1 =	sld [smem:$0x3F9C];
	s0 =	simm.s32 @p0 $0x1  }
0x13: {  	[smem:$0x3FB7] =	sst s0;
	s0 =	simm.s32 @!p1 $0x0  }
0x14: {  	s2 =	sld [smem:$0x3F9B];
	s0 =	simm.s32 @p1 $0x1  }
0x15: {  	[smem:$0x3FB8] =	sst s0;
	s0 =	simm.s32 @!p2 $0x0  }
0x16: {  	s3 =	sld [smem:$0x3FDB];
	s0 =	simm.s32 @p2 $0x1  }
0x17: {  	s4 =	simm.s32 $0x1BF5;
	[smem:$0x3FBA] =	sst s0  }
0x18: {  	s0 =	sld [smem:$0x3F9D];
	_ =	swait.ge [sflag:s4], $0x0  }
0x19: {  	s7 =	sld [smem:$0x3F9E]  }
0x1a: {  	s8 =	sadd.s32 $0xFFFFE003, lr  }
0x1b: {  	s9 =	sadd.s32 $0xFFFFFEF7, lr;
	s5 =	simm.s32 $0xFFFFFFFF;
	p2 =	slt.u32 s8, $0xFFFFF086  }
0x1c: {  	p1 =	slt.u32 s9, $0xF7A;
	s5 =	simm.s32 @!p2 $0x0  }
0x1d: {  	s5 =	simm.s32 @p1 $0x1;
	p0 =	seq.s32 s7, s2  }
0x1e: {  	s7 =	smul.u32 @!p0 $0xF7A, s2;
	p2 =	seq.s32 @!p0 s5, $0x0  }
0x1f: {  	s9 =	smul.u32 $0xF7A, s1;
	s8 =	simm.s32 @!p0 $0x1BF5;
	p2 =	por !p2, p0  }
0x20: {  	[sflag:s8] =	ssyncset.s32 @!p0 $0xFFFFF086;
	s6 =	sadd.s32 @!p0 s3, s7;
	s7 =	simm.s32 @!p0 $0x108  }
0x21: {  	s3 =	sadd.s32 s3, s9;
	s6 =	sadd.s32 @!p0 $0x88, s6;
	s7 =	simm.s32 @p2 $0x1082  }
0x22: {  	[simem:s7], [sflag:s8] =	dma.local @!p0 [hbm:s6], $0xF7A  }
0x23: {  	s9 =	sor.u32 $0xD0000000, s2;
	s6 =	simm.s32 $0x108;
	_ =	swait.ge @!p0 [sflag:s8], $0x0  }
0x24: {  	s3 =	sadd.s32 $0x88, s3;
	s6 =	simm.s32 @!p1 $0x1082;
	[sflag:s4] =	ssyncset.s32 $0xFFFFF086  }
0x25: {  	[simem:s6], [sflag:s4] =	dma.local [hbm:s3], $0xF7A  }
0x26: {  	[smem:$0x3F9E] =	sst s1;
	(tag) =	ssettag s2;
	_ =	strace s9  }
0x27: {  	s1 =	sld [smem:$0x3FAE]  }
0x28: {  	s2 =	sld [smem:$0x3FAF]  }
0x29: {  	s4 =	sld [smem:$0x3FB1]  }
0x2a: {  	p0 =	seq.s32 s5, $0x0;
	s5 =	sld [smem:$0x3FB2]  }
0x2b: {  	s6 =	sld [smem:$0x3FB3]  }
0x2c: {  	s7 =	sld [smem:$0x3FB4]  }
0x2d: {  	s3 =	simm.s32 $0x108;
	s8 =	sld [smem:$0x3FB5]  }
0x2e: {  	s3 =	simm.s32 @!p0 $0x1082;
	s9 =	sld [smem:$0x3FB6]  }
0x2f: {  	lr =	sadd.s32 s0, s3;
	s0 =	sld [smem:$0x3FAD]  }
0x30: {  	s3 =	sld [smem:$0x3FB0]  }
0x31: {  	[smem:$0x3FB9] =	sst s10  }
0x32: {  	s10 =	sld [smem:$0x3FB7];
	_ =	sdelay $0x3  }
0x33: {  	p0 =	seq.s32 s10, $0x1;
	s10 =	sld [smem:$0x3FB9];
	_ =	sdelay $0x3  }
0x34: {  	[smem:$0x3FB9] =	sst s10  }
0x35: {  	s10 =	sld [smem:$0x3FB8];
	_ =	sdelay $0x3  }
0x36: {  	p1 =	seq.s32 s10, $0x1;
	s10 =	sld [smem:$0x3FB9];
	_ =	sdelay $0x3  }
0x37: {  	[smem:$0x3FB9] =	sst s10  }
0x38: {  	s10 =	sld [smem:$0x3FBA]  }
0x39: {  	_ = 	snop;
	(pc) =	sbr.ind lr, $3  }
0x3a: {  	_ = 	snop  }
0x3b: {  	_ = 	snop  }
0x3c: {  	p2 =	seq.s32 s10, $0x1;
	s10 =	sld [smem:$0x3FB9]  }
0x3d: {  	_ =	shalt  }
0x3e: {  	_ =	shalt  }
0x3f: {  	_ =	shalt  }
0x40: {  	_ =	shalt  }
0x41: {  	_ =	shalt  }
0x42: {  	_ =	shalt  }
0x43: {  	_ =	shalt  }
0x44: {  	_ =	shalt  }
0x45: {  	_ =	shalt  }
0x46: {  	_ =	shalt  }
0x47: {  	_ =	shalt  }
0x48: {  	_ =	shalt  }
0x49: {  	_ =	shalt  }
0x4a: {  	_ =	shalt  }
0x4b: {  	_ =	shalt  }
0x4c: {  	_ =	shalt  }
0x4d: {  	_ =	shalt  }
0x4e: {  	_ =	shalt  }
0x4f: {  	_ =	shalt  }
0x50: {  	_ =	shalt  }
0x51: {  	_ =	shalt  }
0x52: {  	_ =	shalt  }
0x53: {  	_ =	shalt  }
0x54: {  	_ =	shalt  }
0x55: {  	_ =	shalt  }
0x56: {  	_ =	shalt  }
0x57: {  	_ =	shalt  }
0x58: {  	_ =	shalt  }
0x59: {  	_ =	shalt  }
0x5a: {  	_ =	shalt  }
0x5b: {  	_ =	shalt  }
0x5c: {  	_ =	shalt  }
0x5d: {  	_ =	shalt  }
0x5e: {  	_ =	shalt  }
0x5f: {  	_ =	shalt  }
0x60: {  	_ =	shalt  }
0x61: {  	_ =	shalt  }
0x62: {  	_ =	shalt  }
0x63: {  	_ =	shalt  }
0x64: {  	_ =	shalt  }
0x65: {  	_ =	shalt  }
0x66: {  	_ =	shalt  }
0x67: {  	_ =	shalt  }
0x68: {  	_ =	shalt  }
0x69: {  	_ =	shalt  }
0x6a: {  	_ =	shalt  }
0x6b: {  	_ =	shalt  }
0x6c: {  	_ =	shalt  }
0x6d: {  	_ =	shalt  }
0x6e: {  	_ =	shalt  }
0x6f: {  	_ =	shalt  }
0x70: {  	_ =	shalt  }
0x71: {  	_ =	shalt  }
0x72: {  	_ =	shalt  }
0x73: {  	_ =	shalt  }
0x74: {  	_ =	shalt  }
0x75: {  	_ =	shalt  }
0x76: {  	_ =	shalt  }
0x77: {  	_ =	shalt  }
0x78: {  	_ =	shalt  }
0x79: {  	_ =	shalt  }
0x7a: {  	_ =	shalt  }
0x7b: {  	_ =	shalt  }
0x7c: {  	_ =	shalt  }
0x7d: {  	_ =	shalt  }
0x7e: {  	_ =	shalt  }
0x7f: {  	_ =	shalt  }
0x80: {  	_ =	shalt  }
0x81: {  	_ =	shalt  }
0x82: {  	_ =	shalt  }
0x83: {  	_ =	shalt  }
0x84: {  	_ =	shalt  }
0x85: {  	_ =	shalt  }
0x86: {  	_ =	shalt  }
0x87: {  	_ =	shalt  }
.Lfunc_end0:
.L_simem_size_0:
called_computation_lowered:
.L_overlay_start_0:
0x88: {  	s2 =	sld [smem:$0x3FD9]  }
0x89: {  	s3 =	sld [smem:$0x3FFE];
	_ =	sdelay $0x1  }
0x8a: {  	s1 =	srdreg.scid  }
0x8b: {  	s0 =	sand.u32 $0x1, s1  }
0x8c: {  	s14 =	sshll.u32 s0, $0xA;
	s2 =	sadd.s32 s3, s2  }
0x8d: {  	s2 =	sadd.s32 s2, s14  }
0x8e: {  	[smem:$0x3FC5] =	sst s2  }
0x8f: {  	_ = 	snop  }
0x90: {  	s2 =	sld [smem:$0x3FD0];
	_ =	sdelay $0x2  }
0x91: {  	s4 =	simm.s32 $0xA;
	s5 =	simm.s32 $0x10;
	s15 =	sld [smem:$0x3FC7]  }
0x92: {  	[smem:s5], [sflag:s4] =	dma.local [hbm:s2], $0x1  }
0x93: {  	_ =	swait.eq [sflag:s4], $0x1  }
0x94: {  	[sflag:s4] =	ssyncset.done $0x0  }
0x95: {  	[sflag:s4] =	ssyncadd.s32 $0xFFFFFFFF  }
0x96: {  	s16 =	sld [smem:$0x10];
	(tm) =	ssettm $0x1  }
0x97: {  	s17 =	sld [smem:$0x3FFB];
	_ =	sdelay $0x3  }
0x98: {  	_ =	strace s17  }
0x99: {  	s4 =	sld [smem:$0x3FFC];
	_ =	sdelay $0x3  }
0x9a: {  	_ =	strace s4  }
0x9b: {  	s4 =	sld [smem:$0x3FFD];
	_ =	sdelay $0x3  }
0x9c: {  	_ =	strace s4  }
0x9d: {  	_ =	strace $0x8FFFFFFF  }
0x9e: {  	s18 =	sld [smem:$0x3FDB];
	_ =	sdelay $0x1  }
0x9f: {  	s19 =	simm.s32 $_scs_section_size  }
0xa0: {  	s6 =	simm.s32 $_size__tile_overlayer_lowered;
	s7 =	simm.s32 $_tile_overlayer_lowered  }
0xa1: {  	s22 =	simm.s32 $0x1BFF;
	s21 =	sshll.u32 s7, $0x1;
	s4 =	sadd.s32 s19, s18  }
0xa2: {  	s8 =	simm.s32 $0x0;
	s20 =	sshll.u32 s6, $0x1;
	s6 =	sadd.s32 s21, s4  }
0xa3: {  	[timem:s8], [sflag:s22] =	dma.local [hbm:s6], s20  }
0xa4: {  	_ =	swait.ge [sflag:s22], s20  }
0xa5: {  	s5 =	ssub.s32 $0x0, s20;
	[sflag:s22] =	ssyncset.done $0x0  }
0xa6: {  	[sflag:s22] =	ssyncadd.s32 s5;
	_ =	sdelay $0x1  }
0xa7: {  	s23 =	simm.s32 $0x1B8B  }
0xa8: {  	_ =	swait.ge [sflag:s23], $0x1  }
0xa9: {  	[sflag:s23] =	ssyncset.done $0x0  }
0xaa: {  	s25 =	simm.s32 $0x1B8E;
	s24 =	sld [smem:$0x3FFE];
	[sflag:s23] =	ssyncadd.s32 $0xFFFFFFFF  }
0xab: {  	s26 =	simm.s32 $execute0_lowered;
	[smem:$0x3FD2] =	sst s25  }
0xac: {  	s6 =	sshll.u32 s26, $0x1;
	_ =	strace $0x80000046;
	[dreg:$0x1] =	wrdreg $0xFFFFFFFF  }
0xad: {  	s28 =	simm.s32 $_size_execute0_lowered;
	s4 =	sadd.s32 s4, s6;
	[dreg:$0x0] =	wrdreg $0x0  }
0xae: {  	s6 =	sshll.u32 s28, $0x1;
	[dreg:$0x2] =	wrdreg s4  }
0xaf: {  	[dreg:$0x3] =	wrdreg s6  }
0xb0: {  	[dreg:$0x4] =	wrdreg $0xC0  }
0xb1: {  	_ =	task [dreg:s8], $0x5FFFF  }
0xb2: {  	[dreg:$0x1] =	wrdreg $0xFFFFFFFF  }
0xb3: {  	[dreg:$0x0] =	wrdreg $0x60  }
0xb4: {  	[dreg:$0x2] =	wrdreg s15  }
0xb5: {  	[dreg:$0x3] =	wrdreg s24  }
0xb6: {  	[dreg:$0x4] =	wrdreg s16  }
0xb7: {  	[dreg:$0x5] =	wrdreg $0x9  }
0xb8: {  	_ =	task.clear_ibuf [dreg:s8], $0x6FFFF;
	_ =	strace $0x90000046  }
0xb9: {  	s29 =	simm.s32 $0x9;
	_ =	strace $0x80000048  }
0xba: {  	_ =	swait.ge [sflag:s29], $0x1  }
0xbb: {  	[sflag:s29] =	ssyncadd.s32 $0xFFFFFFFF  }
0xbc: {  	_ =	strace $0x90000048  }
0xbd: {  	_ =	sfence  }
0xbe: {  	s30 =	sld [smem:$0x0];
	_ =	sdelay $0x2  }
0xbf: {  	s31 =	sshll.u32 s1, $0xD;
	s1 =	sshrl.u32 s1, $0x2  }
0xc0: {  	s3 =	sand.u32 $0x4000, s31;
	s1 =	sadd.s32 s1, s30  }
0xc1: {  	s0 =	sor.u32 s3, s0;
	s1 =	sshll.u32 s1, $0x11  }
0xc2: {  	s0 =	sor.u32 s1, s0  }
0xc3: {  	s0 =	sadd.s32 $0x8F2B, s0  }
0xc4: {  	[sflag:s0] =	ssyncadd.remote.s32 $0x1  }
0xc5: {  	_ =	sfence.sel $0xFFFF  }
0xc6: {  	[dreg:$0x0] =	wrdreg $0xFFFFFFFF;
	(pc) =	sbr.abs _section_cstart, $3  }
0xc7: {  	[dreg:$0x1] =	wrdreg $0xFFFFFFFF  }
0xc8: {  	_ =	task.clear_ibuf [dreg:s8], $0x2FFFF;
	_ =	strace $0x9FFFFFFF  }
0xc9: {  	(tm) =	ssettm $0x7FFFFFFF  }
tec
execute0_lowered:
.L_overlay_start_1:
0x0: {  	(tag) =	ssettag $0x1  }
0x1: {  	s1 =	rddreg [dreg:$0x0]  }
0x2: {  	s0 =	rddreg [dreg:$0x1]  }
0x3: {  	s2 =	rddreg [dreg:$0x2]  }
0x4: {  	s4 =	srdreg.scid;
	s3 =	stileid.u32  }
0x5: {  	s7 =	simm.s32 $0x0;
	s13 =	sand.u32 $0x1, s4;
	s24 =	sshll.u32 s3, $0xA  }
0x6: {  	[smem:$0x7FF] =	sst s7;
	s26 =	sadd.s32 $0x100, s1;
	s28 =	sadd.s32 $0x200, s1  }
0x7: {  	s7 =	sadd.s32 $0x300, s1;
	s8 =	sadd.s32 $0x400, s1;
	s9 =	sadd.s32 $0x500, s1  }
0x8: {  	s29 =	sshll.u32 s3, $0x12;
	s5 =	sshll.u32 s13, $0x9;
	s6 =	ssub.s32 $0x2, s13  }
0x9: {  	_ =	strace $0x80000047;
	[dreg:$0x4] =	wrdreg s26;
	s4 =	sor.u32 s5, s24  }
0xa: {  	[dreg:$0x5] =	wrdreg s28;
	s25 =	sshrl.u32 s6, $0x1;
	s0 =	sadd.s32 s4, s0  }
0xb: {  	s31 =	sshll.u32 s13, $0x11;
	s12 =	ssub.s32 s6, s25;
	s0 =	sadd.s32 $0x800, s0  }
0xc: {  	v2 =	vlaneseq.u32;
	s30 =	smax.u32 s12, $0x1;
	[dreg:$0x6] =	wrdreg s0;
	s0 =	sadd.s32 s29, s2  }
0xd: {  	vm0 =	vmmov $0xffff;
	s10 =	sadd.s32 $0x600, s1;
	v1 =	vshrl.u32 v2, $0x3;
	[dreg:$0x7] =	wrdreg s30;
	s0 =	sadd.s32 s31, s0  }
0xe: {  	s11 =	sadd.s32 $0x700, s1;
	v0 =	vand.u32 $0x7, v2;
	v2 =	vor.u32 $0x8, v2;
	s1 =	simm.s32 $0x0;
	v1 =	vmul.u32 $0x8, v1;
	[dreg:$0x8] =	wrdreg s0  }
.LBB2_1:
0xf: {  	[dreg:$0x9] =	wrdreg s1  }
0x10: {  	s3 =	simm.s32 $0x0;
	s0 =	rddreg [dreg:$0x6];
	s12 =	simm.s32 $0x7  }
0x11: {  	[tilespmem:s3], [sflag:$0x7] =	stream.linear.gather [hbm4b:s0+s3], $0x1000, $0x38;
	[tilespmem:$0x19000] =	vst v63  }
0x12: {  	_ =	swait.ge [sflag:s12], $0x1000  }
0x13: {  	[sflag:s12] =	ssyncset.done $0x0  }
0x14: {  	[sflag:s12] =	ssyncadd.s32 $0xFFFFF000  }
0x15: {  	v3 =	vld [tilespmem:$0x0];
	_ =	sdelay $0x4  }
0x16: {  	v4 =	vshll.u32 v3, $0x4  }
0x17: {  	v3 =	vand.u32 $0x7, v3;
	v4 =	vand.u32 $0xFFFFFF80, v4  }
0x18: {  	v3 =	vor.u32 v3, v4  }
0x19: {  	v4 =	vperm.xlane v3, v0;
	_ =	sdelay $0x1  }
0x1a: {  	v4 =	vadd.s32 v1, v4;
	_ =	sdelay $0x3  }
0x1b: {  	s13 =	simm.s32 $0x1000;
	s1 =	rddreg [dreg:$0x0]  }
0x1c: {  	[tilespmem:s13], [sflag:$0x1] =	stream.indirect_vreg.gather [hbm4b:s1+s3], $0x80, v4, vm0, $0xb8;
	[tilespmem:$0x19000] =	vst v63  }
0x1d: {  	s14 =	simm.s32 $0x1800;
	s4 =	rddreg [dreg:$0x4]  }
0x1e: {  	[tilespmem:s14], [sflag:$0x1] =	stream.indirect_vreg.gather [hbm4b:s4+s3], $0x80, v4, vm0, $0xb8;
	[tilespmem:$0x19000] =	vst v63  }
0x1f: {  	s15 =	simm.s32 $0x2000;
	s5 =	rddreg [dreg:$0x5]  }
0x20: {  	[tilespmem:s15], [sflag:$0x1] =	stream.indirect_vreg.gather [hbm4b:s5+s3], $0x80, v4, vm0, $0xb8;
	[tilespmem:$0x19000] =	vst v63  }
0x21: {  	s16 =	simm.s32 $0x2800  }
0x22: {  	[tilespmem:s16], [sflag:$0x1] =	stream.indirect_vreg.gather [hbm4b:s7+s3], $0x80, v4, vm0, $0xb8;
	[tilespmem:$0x19000] =	vst v63  }
0x23: {  	s17 =	simm.s32 $0x3000  }
0x24: {  	[tilespmem:s17], [sflag:$0x1] =	stream.indirect_vreg.gather [hbm4b:s8+s3], $0x80, v4, vm0, $0xb8;
	[tilespmem:$0x19000] =	vst v63  }
0x25: {  	s18 =	simm.s32 $0x3800;
	v3 =	vperm.xlane v3, v2  }
0x26: {  	[tilespmem:s18], [sflag:$0x1] =	stream.indirect_vreg.gather [hbm4b:s9+s3], $0x80, v4, vm0, $0xb8;
	[tilespmem:$0x19000] =	vst v63  }
0x27: {  	s19 =	simm.s32 $0x4000;
	v3 =	vadd.s32 v1, v3  }
0x28: {  	[tilespmem:s19], [sflag:$0x1] =	stream.indirect_vreg.gather [hbm4b:s10+s3], $0x80, v4, vm0, $0xb8;
	[tilespmem:$0x19000] =	vst v63  }
0x29: {  	s20 =	simm.s32 $0x4800  }
0x2a: {  	[tilespmem:s20], [sflag:$0x1] =	stream.indirect_vreg.gather [hbm4b:s11+s3], $0x80, v4, vm0, $0xb8;
	[tilespmem:$0x19000] =	vst v63  }
0x2b: {  	s21 =	simm.s32 $0x5000  }
0x2c: {  	[tilespmem:s21], [sflag:$0x1] =	stream.indirect_vreg.gather [hbm4b:s1+s3], $0x80, v3, vm0, $0xb8;
	[tilespmem:$0x19000] =	vst v63  }
0x2d: {  	s22 =	simm.s32 $0x5800  }
0x2e: {  	[tilespmem:s22], [sflag:$0x1] =	stream.indirect_vreg.gather [hbm4b:s4+s3], $0x80, v3, vm0, $0xb8;
	[tilespmem:$0x19000] =	vst v63  }
0x2f: {  	s23 =	simm.s32 $0x6000  }
0x30: {  	[tilespmem:s23], [sflag:$0x1] =	stream.indirect_vreg.gather [hbm4b:s5+s3], $0x80, v3, vm0, $0xb8;
	[tilespmem:$0x19000] =	vst v63  }
0x31: {  	s24 =	simm.s32 $0x6800  }
0x32: {  	[tilespmem:s24], [sflag:$0x1] =	stream.indirect_vreg.gather [hbm4b:s7+s3], $0x80, v3, vm0, $0xb8;
	[tilespmem:$0x19000] =	vst v63  }
0x33: {  	s25 =	simm.s32 $0x7000  }
0x34: {  	[tilespmem:s25], [sflag:$0x1] =	stream.indirect_vreg.gather [hbm4b:s8+s3], $0x80, v3, vm0, $0xb8;
	[tilespmem:$0x19000] =	vst v63  }
0x35: {  	s26 =	simm.s32 $0x7800  }
0x36: {  	[tilespmem:s26], [sflag:$0x1] =	stream.indirect_vreg.gather [hbm4b:s9+s3], $0x80, v3, vm0, $0xb8;
	[tilespmem:$0x19000] =	vst v63  }
0x37: {  	s28 =	simm.s32 $0x8000  }
0x38: {  	[tilespmem:s28], [sflag:$0x1] =	stream.indirect_vreg.gather [hbm4b:s10+s3], $0x80, v3, vm0, $0xb8;
	[tilespmem:$0x19000] =	vst v63  }
0x39: {  	s2 =	simm.s32 $0x8800  }
0x3a: {  	[tilespmem:s2], [sflag:$0x1] =	stream.indirect_vreg.gather [hbm4b:s11+s3], $0x80, v3, vm0, $0xb8;
	[tilespmem:$0x19000] =	vst v63  }
0x3b: {  	v3 =	vld [tilespmem:$0x80];
	_ =	sdelay $0x4  }
0x3c: {  	v4 =	vshll.u32 v3, $0x4  }
0x3d: {  	v3 =	vand.u32 $0x7, v3;
	v4 =	vand.u32 $0xFFFFFF80, v4  }
0x3e: {  	v3 =	vor.u32 v3, v4  }
0x3f: {  	v4 =	vperm.xlane v3, v0;
	_ =	sdelay $0x1  }
0x40: {  	v4 =	vadd.s32 v1, v4;
	_ =	sdelay $0x3  }
0x41: {  	s6 =	simm.s32 $0x9000  }
0x42: {  	[tilespmem:s6], [sflag:$0x2] =	stream.indirect_vreg.gather [hbm4b:s1+s3], $0x80, v4, vm0, $0xb8;
	[tilespmem:$0x19000] =	vst v63  }
0x43: {  	s12 =	simm.s32 $0x9800  }
0x44: {  	[tilespmem:s12], [sflag:$0x2] =	stream.indirect_vreg.gather [hbm4b:s4+s3], $0x80, v4, vm0, $0xb8;
	[tilespmem:$0x19000] =	vst v63  }
0x45: {  	s13 =	simm.s32 $0xA000  }
0x46: {  	[tilespmem:s13], [sflag:$0x2] =	stream.indirect_vreg.gather [hbm4b:s5+s3], $0x80, v4, vm0, $0xb8;
	[tilespmem:$0x19000] =	vst v63  }
0x47: {  	s14 =	simm.s32 $0xA800  }
0x48: {  	[tilespmem:s14], [sflag:$0x2] =	stream.indirect_vreg.gather [hbm4b:s7+s3], $0x80, v4, vm0, $0xb8;
	[tilespmem:$0x19000] =	vst v63  }
0x49: {  	s15 =	simm.s32 $0xB000  }
0x4a: {  	[tilespmem:s15], [sflag:$0x2] =	stream.indirect_vreg.gather [hbm4b:s8+s3], $0x80, v4, vm0, $0xb8;
	[tilespmem:$0x19000] =	vst v63  }
0x4b: {  	s16 =	simm.s32 $0xB800;
	v3 =	vperm.xlane v3, v2  }
0x4c: {  	[tilespmem:s16], [sflag:$0x2] =	stream.indirect_vreg.gather [hbm4b:s9+s3], $0x80, v4, vm0, $0xb8;
	[tilespmem:$0x19000] =	vst v63  }
0x4d: {  	s17 =	simm.s32 $0xC000;
	v3 =	vadd.s32 v1, v3  }
0x4e: {  	[tilespmem:s17], [sflag:$0x2] =	stream.indirect_vreg.gather [hbm4b:s10+s3], $0x80, v4, vm0, $0xb8;
	[tilespmem:$0x19000] =	vst v63  }
0x4f: {  	s18 =	simm.s32 $0xC800  }
0x50: {  	[tilespmem:s18], [sflag:$0x2] =	stream.indirect_vreg.gather [hbm4b:s11+s3], $0x80, v4, vm0, $0xb8;
	[tilespmem:$0x19000] =	vst v63  }
0x51: {  	s19 =	simm.s32 $0xD000  }
0x52: {  	[tilespmem:s19], [sflag:$0x2] =	stream.indirect_vreg.gather [hbm4b:s1+s3], $0x80, v3, vm0, $0xb8;
	[tilespmem:$0x19000] =	vst v63  }
0x53: {  	s20 =	simm.s32 $0xD800  }
0x54: {  	[tilespmem:s20], [sflag:$0x2] =	stream.indirect_vreg.gather [hbm4b:s4+s3], $0x80, v3, vm0, $0xb8;
	[tilespmem:$0x19000] =	vst v63  }
0x55: {  	s21 =	simm.s32 $0xE000  }
0x56: {  	[tilespmem:s21], [sflag:$0x2] =	stream.indirect_vreg.gather [hbm4b:s5+s3], $0x80, v3, vm0, $0xb8;
	[tilespmem:$0x19000] =	vst v63  }
0x57: {  	s22 =	simm.s32 $0xE800  }
0x58: {  	[tilespmem:s22], [sflag:$0x2] =	stream.indirect_vreg.gather [hbm4b:s7+s3], $0x80, v3, vm0, $0xb8;
	[tilespmem:$0x19000] =	vst v63  }
0x59: {  	s23 =	simm.s32 $0xF000  }
0x5a: {  	[tilespmem:s23], [sflag:$0x2] =	stream.indirect_vreg.gather [hbm4b:s8+s3], $0x80, v3, vm0, $0xb8;
	[tilespmem:$0x19000] =	vst v63  }
0x5b: {  	s24 =	simm.s32 $0xF800  }
0x5c: {  	[tilespmem:s24], [sflag:$0x2] =	stream.indirect_vreg.gather [hbm4b:s9+s3], $0x80, v3, vm0, $0xb8;
	[tilespmem:$0x19000] =	vst v63  }
0x5d: {  	s25 =	simm.s32 $0x10000  }
0x5e: {  	[tilespmem:s25], [sflag:$0x2] =	stream.indirect_vreg.gather [hbm4b:s10+s3], $0x80, v3, vm0, $0xb8;
	[tilespmem:$0x19000] =	vst v63  }
0x5f: {  	s26 =	simm.s32 $0x10800  }
0x60: {  	[tilespmem:s26], [sflag:$0x2] =	stream.indirect_vreg.gather [hbm4b:s11+s3], $0x80, v3, vm0, $0xb8;
	[tilespmem:$0x19000] =	vst v63  }
0x61: {  	v3 =	vld [tilespmem:$0x100];
	_ =	sdelay $0x4  }
0x62: {  	v4 =	vshll.u32 v3, $0x4  }
0x63: {  	v3 =	vand.u32 $0x7, v3;
	v4 =	vand.u32 $0xFFFFFF80, v4  }
0x64: {  	v3 =	vor.u32 v3, v4  }
0x65: {  	v4 =	vperm.xlane v3, v0;
	_ =	sdelay $0x1  }
0x66: {  	v4 =	vadd.s32 v1, v4;
	_ =	sdelay $0x3  }
0x67: {  	s28 =	simm.s32 $0x11000  }
0x68: {  	[tilespmem:s28], [sflag:$0x3] =	stream.indirect_vreg.gather [hbm4b:s1+s3], $0x80, v4, vm0, $0xb8;
	[tilespmem:$0x19000] =	vst v63  }
0x69: {  	s2 =	simm.s32 $0x11800  }
0x6a: {  	[tilespmem:s2], [sflag:$0x3] =	stream.indirect_vreg.gather [hbm4b:s4+s3], $0x80, v4, vm0, $0xb8;
	[tilespmem:$0x19000] =	vst v63  }
0x6b: {  	s6 =	simm.s32 $0x12000  }
0x6c: {  	[tilespmem:s6], [sflag:$0x3] =	stream.indirect_vreg.gather [hbm4b:s5+s3], $0x80, v4, vm0, $0xb8;
	[tilespmem:$0x19000] =	vst v63  }
0x6d: {  	s12 =	simm.s32 $0x12800  }
0x6e: {  	[tilespmem:s12], [sflag:$0x3] =	stream.indirect_vreg.gather [hbm4b:s7+s3], $0x80, v4, vm0, $0xb8;
	[tilespmem:$0x19000] =	vst v63  }
0x6f: {  	s13 =	simm.s32 $0x13000  }
0x70: {  	[tilespmem:s13], [sflag:$0x3] =	stream.indirect_vreg.gather [hbm4b:s8+s3], $0x80, v4, vm0, $0xb8;
	[tilespmem:$0x19000] =	vst v63  }
0x71: {  	s14 =	simm.s32 $0x13800;
	v3 =	vperm.xlane v3, v2  }
0x72: {  	[tilespmem:s14], [sflag:$0x3] =	stream.indirect_vreg.gather [hbm4b:s9+s3], $0x80, v4, vm0, $0xb8;
	[tilespmem:$0x19000] =	vst v63  }
0x73: {  	s15 =	simm.s32 $0x14000;
	v3 =	vadd.s32 v1, v3  }
0x74: {  	[tilespmem:s15], [sflag:$0x3] =	stream.indirect_vreg.gather [hbm4b:s10+s3], $0x80, v4, vm0, $0xb8;
	[tilespmem:$0x19000] =	vst v63  }
0x75: {  	s16 =	simm.s32 $0x14800  }
0x76: {  	[tilespmem:s16], [sflag:$0x3] =	stream.indirect_vreg.gather [hbm4b:s11+s3], $0x80, v4, vm0, $0xb8;
	[tilespmem:$0x19000] =	vst v63  }
0x77: {  	s17 =	simm.s32 $0x15000  }
0x78: {  	[tilespmem:s17], [sflag:$0x3] =	stream.indirect_vreg.gather [hbm4b:s1+s3], $0x80, v3, vm0, $0xb8;
	[tilespmem:$0x19000] =	vst v63  }
0x79: {  	s18 =	simm.s32 $0x15800;
	s23 =	smul.u32 $0xAB, s3  }
0x7a: {  	[tilespmem:s18], [sflag:$0x3] =	stream.indirect_vreg.gather [hbm4b:s4+s3], $0x80, v3, vm0, $0xb8;
	[tilespmem:$0x19000] =	vst v63  }
0x7b: {  	s19 =	simm.s32 $0x16000;
	s0 =	sshrl.u32 s23, $0x9  }
0x7c: {  	[tilespmem:s19], [sflag:$0x3] =	stream.indirect_vreg.gather [hbm4b:s5+s3], $0x80, v3, vm0, $0xb8;
	[tilespmem:$0x19000] =	vst v63  }
0x7d: {  	s20 =	simm.s32 $0x16800;
	s0 =	sand.u32 $0x7F, s0  }
0x7e: {  	[tilespmem:s20], [sflag:$0x3] =	stream.indirect_vreg.gather [hbm4b:s7+s3], $0x80, v3, vm0, $0xb8;
	[tilespmem:$0x19000] =	vst v63  }
0x7f: {  	s21 =	simm.s32 $0x17000;
	s0 =	smul.u32 $0x3, s0  }
0x80: {  	[tilespmem:s21], [sflag:$0x3] =	stream.indirect_vreg.gather [hbm4b:s8+s3], $0x80, v3, vm0, $0xb8;
	[tilespmem:$0x19000] =	vst v63  }
0x81: {  	s22 =	simm.s32 $0x17800;
	s0 =	ssub.s32 $0x0, s0  }
0x82: {  	[tilespmem:s22], [sflag:$0x3] =	stream.indirect_vreg.gather [hbm4b:s9+s3], $0x80, v3, vm0, $0xb8;
	[tilespmem:$0x19000] =	vst v63  }
0x83: {  	s0 =	sand.u32 $0xFF, s0;
	s2 =	simm.s32 $0x18000  }
0x84: {  	[tilespmem:s2], [sflag:$0x3] =	stream.indirect_vreg.gather [hbm4b:s10+s3], $0x80, v3, vm0, $0xb8;
	[tilespmem:$0x19000] =	vst v63  }
0x85: {  	s24 =	simm.s32 $0x18800;
	s25 =	sadd.s32 $0x1, s0  }
0x86: {  	[tilespmem:s24], [sflag:$0x3] =	stream.indirect_vreg.gather [hbm4b:s11+s3], $0x80, v3, vm0, $0xb8;
	[tilespmem:$0x19000] =	vst v63  }
0x87: {  	_ =	swait.ge [sflag:s25], $0x8000  }
0x88: {  	s15 =	sshll.u32 s0, $0xF;
	s0 =	sor.u32 $0x4, s0;
	[sflag:s25] =	ssyncset.done $0x0  }
0x89: {  	s26 =	sor.u32 $0x1000, s15;
	s6 =	rddreg [dreg:$0x8];
	[sflag:s25] =	ssyncadd.s32 $0xFFFF8000  }
0x8a: {  	[hbm4b:s6+s3] =	stream.linear.scatter [tilespmem:s26], [sflag:s0], $0x8000, $0x38;
	[tilespmem:$0x19000] =	vst v63  }
0x8b: {  	_ =	swait.ge [sflag:s0], $0x8000  }
0x8c: {  	[sflag:s0] =	ssyncset.done $0x0  }
0x8d: {  	p0 =	por $0x0, $0x0;
	s2 =	simm.s32 $0x180;
	[sflag:s0] =	ssyncadd.s32 $0xFFFF8000  }
0x8e: {  	v3 =	vld @!p0 [tilespmem:s2+$0x0];
	_ =	sdelay $0x3  }
0x8f: {  	s0 =	simm.s32 @!p0 $0x3  }
0x90: {  	s0 =	smul.u32 @!p0 $0xAB, s0;
	v4 =	vshll.u32 @!p0 v3, $0x4  }
0x91: {  	v5 =	vlaneseq.u32 @!p0;
	v3 =	vand.u32 @!p0 $0x7, v3;
	v4 =	vand.u32 @!p0 $0xFFFFFF80, v4  }
0x92: {  	v6 =	vand.u32 @!p0 $0x7, v5;
	v7 =	vshrl.u32 @!p0 v5, $0x3;
	s0 =	sshrl.u32 @!p0 s0, $0x9;
	v3 =	vor.u32 @!p0 v3, v4  }
0x93: {  	s0 =	sand.u32 @!p0 $0x7F, s0;
	v4 =	vperm.xlane @!p0 v3, v6;
	v6 =	vmul.u32 @!p0 $0x8, v7  }
0x94: {  	s0 =	smul.u32 @!p0 $0x3, s0  }
0x95: {  	v4 =	vadd.s32 @!p0 v6, v4  }
0x96: {  	s0 =	ssub.s32 @!p0 $0x3, s0  }
0x97: {  	s0 =	sand.u32 @!p0 $0xFF, s0  }
0x98: {  	s19 =	sshll.u32 @!p0 s0, $0xF  }
0x99: {  	vm1 =	vmmov @!p0 $0xffff;
	s18 =	simm.s32 @!p0 $0x0;
	s17 =	sadd.s32 @!p0 $0x1, s0;
	s2 =	sor.u32 @!p0 $0x1000, s19  }
0x9a: {  	[tilespmem:s2], [sflag:s17] =	stream.indirect_vreg.gather @!p0 [hbm4b:s1+s18], $0x80, v4, vm1, $0xb8;
	[tilespmem:$0x19000] =	vst v63  }
0x9b: {  	s0 =	sor.u32 @!p0 $0x1800, s19  }
0x9c: {  	[tilespmem:s0], [sflag:s17] =	stream.indirect_vreg.gather @!p0 [hbm4b:s4+s18], $0x80, v4, vm1, $0xb8;
	[tilespmem:$0x19000] =	vst v63  }
0x9d: {  	s0 =	sor.u32 @!p0 $0x2000, s19  }
0x9e: {  	[tilespmem:s0], [sflag:s17] =	stream.indirect_vreg.gather @!p0 [hbm4b:s5+s18], $0x80, v4, vm1, $0xb8;
	[tilespmem:$0x19000] =	vst v63  }
0x9f: {  	s0 =	sor.u32 @!p0 $0x2800, s19  }
0xa0: {  	[tilespmem:s0], [sflag:s17] =	stream.indirect_vreg.gather @!p0 [hbm4b:s7+s18], $0x80, v4, vm1, $0xb8;
	[tilespmem:$0x19000] =	vst v63  }
0xa1: {  	s0 =	sor.u32 @!p0 $0x3000, s19  }
0xa2: {  	v5 =	vor.u32 @!p0 $0x8, v5;
	[tilespmem:s0], [sflag:s17] =	stream.indirect_vreg.gather @!p0 [hbm4b:s8+s18], $0x80, v4, vm1, $0xb8;
	[tilespmem:$0x19000] =	vst v63  }
0xa3: {  	v3 =	vperm.xlane @!p0 v3, v5;
	s0 =	sor.u32 @!p0 $0x3800, s19  }
0xa4: {  	[tilespmem:s0], [sflag:s17] =	stream.indirect_vreg.gather @!p0 [hbm4b:s9+s18], $0x80, v4, vm1, $0xb8;
	[tilespmem:$0x19000] =	vst v63  }
0xa5: {  	v3 =	vadd.s32 @!p0 v6, v3;
	s0 =	sor.u32 @!p0 $0x4000, s19  }
0xa6: {  	[tilespmem:s0], [sflag:s17] =	stream.indirect_vreg.gather @!p0 [hbm4b:s10+s18], $0x80, v4, vm1, $0xb8;
	[tilespmem:$0x19000] =	vst v63  }
0xa7: {  	s0 =	sor.u32 @!p0 $0x4800, s19  }
0xa8: {  	[tilespmem:s0], [sflag:s17] =	stream.indirect_vreg.gather @!p0 [hbm4b:s11+s18], $0x80, v4, vm1, $0xb8;
	[tilespmem:$0x19000] =	vst v63  }
0xa9: {  	s0 =	sor.u32 @!p0 $0x5000, s19  }
0xaa: {  	[tilespmem:s0], [sflag:s17] =	stream.indirect_vreg.gather @!p0 [hbm4b:s1+s18], $0x80, v3, vm1, $0xb8;
	[tilespmem:$0x19000] =	vst v63  }
0xab: {  	s0 =	simm.s32 $0x1  }
0xac: {  	s29 =	simm.s32 $0x2;
	s2 =	sor.u32 @!p0 $0x5800, s19;
	s28 =	smul.u32 $0xAB, s0  }
0xad: {  	[tilespmem:s2], [sflag:s17] =	stream.indirect_vreg.gather @!p0 [hbm4b:s4+s18], $0x80, v3, vm1, $0xb8;
	[tilespmem:$0x19000] =	vst v63  }
0xae: {  	s30 =	simm.s32 $0x280;
	s2 =	sor.u32 @!p0 $0x6000, s19;
	s16 =	sshrl.u32 s28, $0x9  }
0xaf: {  	[tilespmem:s2], [sflag:s17] =	stream.indirect_vreg.gather @!p0 [hbm4b:s5+s18], $0x80, v3, vm1, $0xb8;
	[tilespmem:$0x19000] =	vst v63  }
0xb0: {  	s15 =	simm.s32 $0x200;
	s21 =	sor.u32 @!p0 $0x7000, s19;
	s20 =	sand.u32 $0x7F, s16  }
0xb1: {  	s2 =	sor.u32 @!p0 $0x6800, s19;
	s16 =	simm.s32 $0x3;
	s22 =	smul.u32 $0x3, s20  }
0xb2: {  	[tilespmem:s2], [sflag:s17] =	stream.indirect_vreg.gather @!p0 [hbm4b:s7+s18], $0x80, v3, vm1, $0xb8;
	[tilespmem:$0x19000] =	vst v63  }
0xb3: {  	s20 =	sadd.s32 @!p0 $0x8000, s19;
	s2 =	sadd.s32 $0x1000, s6;
	s22 =	ssub.s32 $0x1, s22  }
0xb4: {  	[tilespmem:s21], [sflag:s17] =	stream.indirect_vreg.gather @!p0 [hbm4b:s8+s18], $0x80, v3, vm1, $0xb8;
	[tilespmem:$0x19000] =	vst v63  }
0xb5: {  	s31 =	sadd.s32 $0x1000, s2;
	s21 =	sor.u32 @!p0 $0x7800, s19;
	s19 =	sadd.s32 @!p0 $0x8800, s19  }
.LBB2_2:
0xb6: {  	[tilespmem:s21], [sflag:s17] =	stream.indirect_vreg.gather @!p0 [hbm4b:s9+s18], $0x80, v3, vm1, $0xb8;
	[tilespmem:$0x19000] =	vst v63  }
0xb7: {  	s12 =	sand.u32 $0xFF, s22  }
0xb8: {  	[tilespmem:s20], [sflag:s17] =	stream.indirect_vreg.gather @!p0 [hbm4b:s10+s18], $0x80, v3, vm1, $0xb8;
	[tilespmem:$0x19000] =	vst v63  }
0xb9: {  	s14 =	sadd.s32 $0x1, s12  }
0xba: {  	[tilespmem:s19], [sflag:s17] =	stream.indirect_vreg.gather @!p0 [hbm4b:s11+s18], $0x80, v3, vm1, $0xb8;
	[tilespmem:$0x19000] =	vst v63  }
0xbb: {  	_ =	swait.ge [sflag:s14], $0x8000  }
0xbc: {  	s1 =	simm.s32 $0x0;
	s23 =	sshll.u32 s12, $0xF;
	[sflag:s14] =	ssyncset.done $0x0  }
0xbd: {  	s24 =	sor.u32 $0x4, s12;
	s25 =	sor.u32 $0x1000, s23;
	[sflag:s14] =	ssyncadd.s32 $0xFFFF8000  }
0xbe: {  	[hbm4b:s2+s1] =	stream.linear.scatter [tilespmem:s25], [sflag:s24], $0x8000, $0x38;
	[tilespmem:$0x19000] =	vst v63  }
0xbf: {  	_ =	swait.ge [sflag:s24], $0x8000  }
0xc0: {  	[sflag:s24] =	ssyncset.done $0x0  }
0xc1: {  	p0 =	sgt.u32 s0, $0x1C;
	[sflag:s24] =	ssyncadd.s32 $0xFFFF8000  }
0xc2: {  	v3 =	vld @!p0 [tilespmem:s15+$0x0];
	_ =	sdelay $0x3  }
0xc3: {  	s17 =	sadd.s32 @!p0 $0x3, s0  }
0xc4: {  	s18 =	smul.u32 @!p0 $0xAB, s17;
	v7 =	vand.u32 @!p0 $0x7, v3;
	v3 =	vshll.u32 @!p0 v3, $0x4  }
0xc5: {  	v4 =	vlaneseq.u32 @!p0;
	v3 =	vand.u32 @!p0 $0xFFFFFF80, v3  }
0xc6: {  	v5 =	vand.u32 @!p0 $0x7, v4;
	v6 =	vshrl.u32 @!p0 v4, $0x3;
	s18 =	sshrl.u32 @!p0 s18, $0x9;
	v3 =	vor.u32 @!p0 v7, v3  }
0xc7: {  	v6 =	vmul.u32 @!p0 $0x8, v6;
	s18 =	sand.u32 @!p0 $0x7F, s18;
	v5 =	vperm.xlane @!p0 v3, v5  }
0xc8: {  	v4 =	vor.u32 @!p0 $0x8, v4;
	s18 =	smul.u32 @!p0 $0x3, s18  }
0xc9: {  	v3 =	vperm.xlane @!p0 v3, v4;
	v4 =	vadd.s32 @!p0 v6, v5  }
0xca: {  	s17 =	ssub.s32 @!p0 s17, s18  }
0xcb: {  	s17 =	sand.u32 @!p0 $0xFF, s17  }
0xcc: {  	s18 =	simm.s32 @!p0 $0x0;
	s19 =	sshll.u32 @!p0 s17, $0xF  }
0xcd: {  	vm1 =	vmmov @!p0 $0xffff;
	s5 =	rddreg [dreg:$0x0];
	s17 =	sadd.s32 @!p0 $0x1, s17;
	s20 =	sor.u32 @!p0 $0x1000, s19  }
0xce: {  	[tilespmem:s20], [sflag:s17] =	stream.indirect_vreg.gather @!p0 [hbm4b:s5+s18], $0x80, v4, vm1, $0xb8;
	[tilespmem:$0x19000] =	vst v63  }
0xcf: {  	s6 =	rddreg [dreg:$0x4];
	s22 =	sor.u32 @!p0 $0x1800, s19  }
0xd0: {  	[tilespmem:s22], [sflag:s17] =	stream.indirect_vreg.gather @!p0 [hbm4b:s6+s18], $0x80, v4, vm1, $0xb8;
	[tilespmem:$0x19000] =	vst v63  }
0xd1: {  	s23 =	sor.u32 @!p0 $0x2000, s19;
	s22 =	rddreg [dreg:$0x5]  }
0xd2: {  	[tilespmem:s23], [sflag:s17] =	stream.indirect_vreg.gather @!p0 [hbm4b:s22+s18], $0x80, v4, vm1, $0xb8;
	[tilespmem:$0x19000] =	vst v63  }
0xd3: {  	s24 =	sor.u32 @!p0 $0x2800, s19  }
0xd4: {  	[tilespmem:s24], [sflag:s17] =	stream.indirect_vreg.gather @!p0 [hbm4b:s7+s18], $0x80, v4, vm1, $0xb8;
	[tilespmem:$0x19000] =	vst v63  }
0xd5: {  	s25 =	sor.u32 @!p0 $0x3000, s19  }
0xd6: {  	[tilespmem:s25], [sflag:s17] =	stream.indirect_vreg.gather @!p0 [hbm4b:s8+s18], $0x80, v4, vm1, $0xb8;
	[tilespmem:$0x19000] =	vst v63  }
0xd7: {  	s13 =	smov.u32 s16;
	s16 =	sadd.s32 $0x1, s16;
	s26 =	sor.u32 @!p0 $0x3800, s19  }
0xd8: {  	[tilespmem:s26], [sflag:s17] =	stream.indirect_vreg.gather @!p0 [hbm4b:s9+s18], $0x80, v4, vm1, $0xb8;
	[tilespmem:$0x19000] =	vst v63  }
0xd9: {  	p1 =	sne.s32 s16, $0x20;
	s4 =	sor.u32 @!p0 $0x4000, s19;
	v3 =	vadd.s32 @!p0 v6, v3  }
0xda: {  	[tilespmem:s4], [sflag:s17] =	stream.indirect_vreg.gather @!p0 [hbm4b:s10+s18], $0x80, v4, vm1, $0xb8;
	[tilespmem:$0x19000] =	vst v63  }
0xdb: {  	s0 =	smov.u32 s29;
	s29 =	smov.u32 s13;
	s12 =	sor.u32 @!p0 $0x4800, s19  }
0xdc: {  	[tilespmem:s12], [sflag:s17] =	stream.indirect_vreg.gather @!p0 [hbm4b:s11+s18], $0x80, v4, vm1, $0xb8;
	[tilespmem:$0x19000] =	vst v63  }
0xdd: {  	s2 =	smov.u32 s31;
	s31 =	sadd.s32 $0x1000, s31;
	s14 =	sor.u32 @!p0 $0x5000, s19  }
0xde: {  	[tilespmem:s14], [sflag:s17] =	stream.indirect_vreg.gather @!p0 [hbm4b:s5+s18], $0x80, v3, vm1, $0xb8;
	[tilespmem:$0x19000] =	vst v63  }
0xdf: {  	s15 =	smov.u32 s30;
	s13 =	sor.u32 @!p0 $0x5800, s19;
	s26 =	smul.u32 $0xAB, s0  }
0xe0: {  	[tilespmem:s13], [sflag:s17] =	stream.indirect_vreg.gather @!p0 [hbm4b:s6+s18], $0x80, v3, vm1, $0xb8;
	[tilespmem:$0x19000] =	vst v63  }
0xe1: {  	s30 =	sadd.s32 $0x80, s30;
	s28 =	sor.u32 @!p0 $0x6000, s19;
	s4 =	sshrl.u32 s26, $0x9  }
0xe2: {  	[tilespmem:s28], [sflag:s17] =	stream.indirect_vreg.gather @!p0 [hbm4b:s22+s18], $0x80, v3, vm1, $0xb8;
	[tilespmem:$0x19000] =	vst v63  }
.Ltmp0:
0xe3: {  	s3 =	sor.u32 @!p0 $0x6800, s19;
	s28 =	sand.u32 $0x7F, s4;
	(pc) =	sbr.rel @p1 .LBB2_2-.Ltmp0, $4  }
0xe4: {  	[tilespmem:s3], [sflag:s17] =	stream.indirect_vreg.gather @!p0 [hbm4b:s7+s18], $0x80, v3, vm1, $0xb8;
	[tilespmem:$0x19000] =	vst v63  }
0xe5: {  	s1 =	sor.u32 @!p0 $0x7000, s19;
	s21 =	sor.u32 @!p0 $0x7800, s19;
	s3 =	smul.u32 $0x3, s28  }
0xe6: {  	[tilespmem:s1], [sflag:s17] =	stream.indirect_vreg.gather @!p0 [hbm4b:s8+s18], $0x80, v3, vm1, $0xb8;
	[tilespmem:$0x19000] =	vst v63  }
0xe7: {  	s20 =	sadd.s32 @!p0 $0x8000, s19;
	s19 =	sadd.s32 @!p0 $0x8800, s19;
	s22 =	ssub.s32 s0, s3  }
0xe8: {  	_ =	sdelay $0x3  }
0xe9: {  	[tilespmem:s21], [sflag:s17] =	stream.indirect_vreg.gather @!p0 [hbm4b:s9+s18], $0x80, v3, vm1, $0xb8;
	[tilespmem:$0x19000] =	vst v63  }
0xea: {  	s1 =	sand.u32 $0xFF, s22  }
0xeb: {  	[tilespmem:s20], [sflag:s17] =	stream.indirect_vreg.gather @!p0 [hbm4b:s10+s18], $0x80, v3, vm1, $0xb8;
	[tilespmem:$0x19000] =	vst v63  }
0xec: {  	s3 =	sadd.s32 $0x1, s1  }
0xed: {  	[tilespmem:s19], [sflag:s17] =	stream.indirect_vreg.gather @!p0 [hbm4b:s11+s18], $0x80, v3, vm1, $0xb8;
	[tilespmem:$0x19000] =	vst v63  }
0xee: {  	_ =	swait.ge [sflag:s3], $0x8000  }
0xef: {  	s5 =	simm.s32 $0x0;
	s4 =	sshll.u32 s1, $0xF;
	[sflag:s3] =	ssyncset.done $0x0  }
0xf0: {  	s1 =	sor.u32 $0x4, s1;
	s21 =	sor.u32 $0x1000, s4;
	[sflag:s3] =	ssyncadd.s32 $0xFFFF8000  }
0xf1: {  	[hbm4b:s2+s5] =	stream.linear.scatter [tilespmem:s21], [sflag:s1], $0x8000, $0x38;
	[tilespmem:$0x19000] =	vst v63  }
0xf2: {  	_ =	swait.ge [sflag:s1], $0x8000  }
0xf3: {  	[sflag:s1] =	ssyncset.done $0x0  }
0xf4: {  	p0 =	sgt.u32 s0, $0x1C;
	[sflag:s1] =	ssyncadd.s32 $0xFFFF8000  }
0xf5: {  	v3 =	vld @!p0 [tilespmem:s15+$0x0];
	_ =	sdelay $0x3  }
0xf6: {  	s0 =	sadd.s32 @!p0 $0x3, s0  }
0xf7: {  	s1 =	smul.u32 @!p0 $0xAB, s0;
	v4 =	vshll.u32 @!p0 v3, $0x4  }
0xf8: {  	v5 =	vlaneseq.u32 @!p0;
	v3 =	vand.u32 @!p0 $0x7, v3;
	v4 =	vand.u32 @!p0 $0xFFFFFF80, v4  }
0xf9: {  	v6 =	vand.u32 @!p0 $0x7, v5;
	v7 =	vshrl.u32 @!p0 v5, $0x3;
	s1 =	sshrl.u32 @!p0 s1, $0x9;
	v3 =	vor.u32 @!p0 v3, v4  }
0xfa: {  	s1 =	sand.u32 @!p0 $0x7F, s1;
	v4 =	vperm.xlane @!p0 v3, v6;
	v6 =	vmul.u32 @!p0 $0x8, v7  }
0xfb: {  	s1 =	smul.u32 @!p0 $0x3, s1  }
0xfc: {  	v4 =	vadd.s32 @!p0 v6, v4  }
0xfd: {  	s0 =	ssub.s32 @!p0 s0, s1  }
0xfe: {  	s0 =	sand.u32 @!p0 $0xFF, s0  }
0xff: {  	s3 =	simm.s32 @!p0 $0x0;
	s1 =	sshll.u32 @!p0 s0, $0xF  }
0x100: {  	vm1 =	vmmov @!p0 $0xffff;
	s12 =	rddreg [dreg:$0x0];
	s0 =	sadd.s32 @!p0 $0x1, s0;
	s2 =	sor.u32 @!p0 $0x1000, s1  }
0x101: {  	[tilespmem:s2], [sflag:s0] =	stream.indirect_vreg.gather @!p0 [hbm4b:s12+s3], $0x80, v4, vm1, $0xb8;
	[tilespmem:$0x19000] =	vst v63  }
0x102: {  	s13 =	rddreg [dreg:$0x4];
	s2 =	sor.u32 @!p0 $0x1800, s1  }
0x103: {  	[tilespmem:s2], [sflag:s0] =	stream.indirect_vreg.gather @!p0 [hbm4b:s13+s3], $0x80, v4, vm1, $0xb8;
	[tilespmem:$0x19000] =	vst v63  }
0x104: {  	s6 =	rddreg [dreg:$0x5];
	s2 =	sor.u32 @!p0 $0x2000, s1  }
0x105: {  	[tilespmem:s2], [sflag:s0] =	stream.indirect_vreg.gather @!p0 [hbm4b:s6+s3], $0x80, v4, vm1, $0xb8;
	[tilespmem:$0x19000] =	vst v63  }
0x106: {  	s2 =	sor.u32 @!p0 $0x2800, s1  }
0x107: {  	[tilespmem:s2], [sflag:s0] =	stream.indirect_vreg.gather @!p0 [hbm4b:s7+s3], $0x80, v4, vm1, $0xb8;
	[tilespmem:$0x19000] =	vst v63  }
0x108: {  	s2 =	sor.u32 @!p0 $0x3000, s1  }
0x109: {  	v5 =	vor.u32 @!p0 $0x8, v5;
	[tilespmem:s2], [sflag:s0] =	stream.indirect_vreg.gather @!p0 [hbm4b:s8+s3], $0x80, v4, vm1, $0xb8;
	[tilespmem:$0x19000] =	vst v63  }
0x10a: {  	v3 =	vperm.xlane @!p0 v3, v5;
	s2 =	sor.u32 @!p0 $0x3800, s1  }
0x10b: {  	[tilespmem:s2], [sflag:s0] =	stream.indirect_vreg.gather @!p0 [hbm4b:s9+s3], $0x80, v4, vm1, $0xb8;
	[tilespmem:$0x19000] =	vst v63  }
0x10c: {  	v3 =	vadd.s32 @!p0 v6, v3;
	s2 =	sor.u32 @!p0 $0x4000, s1  }
0x10d: {  	[tilespmem:s2], [sflag:s0] =	stream.indirect_vreg.gather @!p0 [hbm4b:s10+s3], $0x80, v4, vm1, $0xb8;
	[tilespmem:$0x19000] =	vst v63  }
0x10e: {  	s2 =	sor.u32 @!p0 $0x4800, s1  }
0x10f: {  	[tilespmem:s2], [sflag:s0] =	stream.indirect_vreg.gather @!p0 [hbm4b:s11+s3], $0x80, v4, vm1, $0xb8;
	[tilespmem:$0x19000] =	vst v63  }
0x110: {  	s2 =	sor.u32 @!p0 $0x5000, s1  }
0x111: {  	[tilespmem:s2], [sflag:s0] =	stream.indirect_vreg.gather @!p0 [hbm4b:s12+s3], $0x80, v3, vm1, $0xb8;
	[tilespmem:$0x19000] =	vst v63  }
0x112: {  	s2 =	sor.u32 @!p0 $0x5800, s1  }
0x113: {  	[tilespmem:s2], [sflag:s0] =	stream.indirect_vreg.gather @!p0 [hbm4b:s13+s3], $0x80, v3, vm1, $0xb8;
	[tilespmem:$0x19000] =	vst v63  }
0x114: {  	s2 =	sor.u32 @!p0 $0x6000, s1  }
0x115: {  	[tilespmem:s2], [sflag:s0] =	stream.indirect_vreg.gather @!p0 [hbm4b:s6+s3], $0x80, v3, vm1, $0xb8;
	[tilespmem:$0x19000] =	vst v63  }
0x116: {  	s2 =	sor.u32 @!p0 $0x6800, s1  }
0x117: {  	[tilespmem:s2], [sflag:s0] =	stream.indirect_vreg.gather @!p0 [hbm4b:s7+s3], $0x80, v3, vm1, $0xb8;
	[tilespmem:$0x19000] =	vst v63  }
0x118: {  	s2 =	sor.u32 @!p0 $0x7000, s1  }
0x119: {  	[tilespmem:s2], [sflag:s0] =	stream.indirect_vreg.gather @!p0 [hbm4b:s8+s3], $0x80, v3, vm1, $0xb8;
	[tilespmem:$0x19000] =	vst v63  }
0x11a: {  	s22 =	smul.u32 $0xAB, s29;
	s2 =	sor.u32 @!p0 $0x7800, s1  }
0x11b: {  	[tilespmem:s2], [sflag:s0] =	stream.indirect_vreg.gather @!p0 [hbm4b:s9+s3], $0x80, v3, vm1, $0xb8;
	[tilespmem:$0x19000] =	vst v63  }
0x11c: {  	s23 =	sshrl.u32 s22, $0x9;
	s2 =	sadd.s32 @!p0 $0x8000, s1  }
0x11d: {  	[tilespmem:s2], [sflag:s0] =	stream.indirect_vreg.gather @!p0 [hbm4b:s10+s3], $0x80, v3, vm1, $0xb8;
	[tilespmem:$0x19000] =	vst v63  }
0x11e: {  	s2 =	sand.u32 $0x7F, s23  }
0x11f: {  	s1 =	sadd.s32 @!p0 $0x8800, s1;
	s2 =	smul.u32 $0x3, s2  }
0x120: {  	[tilespmem:s1], [sflag:s0] =	stream.indirect_vreg.gather @!p0 [hbm4b:s11+s3], $0x80, v3, vm1, $0xb8;
	[tilespmem:$0x19000] =	vst v63  }
0x121: {  	s24 =	ssub.s32 s29, s2  }
0x122: {  	s0 =	sand.u32 $0xFF, s24  }
0x123: {  	s25 =	sadd.s32 $0x1, s0  }
0x124: {  	_ =	swait.ge [sflag:s25], $0x8000  }
0x125: {  	s26 =	sshll.u32 s0, $0xF;
	[sflag:s25] =	ssyncset.done $0x0  }
0x126: {  	s0 =	sor.u32 $0x4, s0;
	s28 =	sor.u32 $0x1000, s26;
	[sflag:s25] =	ssyncadd.s32 $0xFFFF8000  }
0x127: {  	[hbm4b:s31+s5] =	stream.linear.scatter [tilespmem:s28], [sflag:s0], $0x8000, $0x38;
	[tilespmem:$0x19000] =	vst v63  }
0x128: {  	_ =	swait.ge [sflag:s0], $0x8000  }
0x129: {  	[sflag:s0] =	ssyncset.done $0x0  }
0x12a: {  	p0 =	sgt.u32 s29, $0x1C;
	[sflag:s0] =	ssyncadd.s32 $0xFFFF8000  }
0x12b: {  	v3 =	vld @!p0 [tilespmem:s30+$0x0];
	_ =	sdelay $0x3  }
0x12c: {  	s0 =	sadd.s32 @!p0 $0x3, s29  }
0x12d: {  	s1 =	smul.u32 @!p0 $0xAB, s0;
	v4 =	vshll.u32 @!p0 v3, $0x4  }
0x12e: {  	v5 =	vlaneseq.u32 @!p0;
	v3 =	vand.u32 @!p0 $0x7, v3;
	v4 =	vand.u32 @!p0 $0xFFFFFF80, v4  }
0x12f: {  	v6 =	vand.u32 @!p0 $0x7, v5;
	v7 =	vshrl.u32 @!p0 v5, $0x3;
	s1 =	sshrl.u32 @!p0 s1, $0x9;
	v3 =	vor.u32 @!p0 v3, v4  }
0x130: {  	s1 =	sand.u32 @!p0 $0x7F, s1;
	v4 =	vperm.xlane @!p0 v3, v6;
	v6 =	vmul.u32 @!p0 $0x8, v7  }
0x131: {  	s1 =	smul.u32 @!p0 $0x3, s1  }
0x132: {  	v4 =	vadd.s32 @!p0 v6, v4  }
0x133: {  	s0 =	ssub.s32 @!p0 s0, s1  }
0x134: {  	s0 =	sand.u32 @!p0 $0xFF, s0  }
0x135: {  	s1 =	sshll.u32 @!p0 s0, $0xF  }
0x136: {  	vm1 =	vmmov @!p0 $0xffff;
	s3 =	simm.s32 @!p0 $0x0;
	s0 =	sadd.s32 @!p0 $0x1, s0;
	s2 =	sor.u32 @!p0 $0x1000, s1  }
0x137: {  	[tilespmem:s2], [sflag:s0] =	stream.indirect_vreg.gather @!p0 [hbm4b:s12+s3], $0x80, v4, vm1, $0xb8;
	[tilespmem:$0x19000] =	vst v63  }
0x138: {  	s2 =	sor.u32 @!p0 $0x1800, s1  }
0x139: {  	[tilespmem:s2], [sflag:s0] =	stream.indirect_vreg.gather @!p0 [hbm4b:s13+s3], $0x80, v4, vm1, $0xb8;
	[tilespmem:$0x19000] =	vst v63  }
0x13a: {  	s2 =	sor.u32 @!p0 $0x2000, s1  }
0x13b: {  	[tilespmem:s2], [sflag:s0] =	stream.indirect_vreg.gather @!p0 [hbm4b:s6+s3], $0x80, v4, vm1, $0xb8;
	[tilespmem:$0x19000] =	vst v63  }
0x13c: {  	s2 =	sor.u32 @!p0 $0x2800, s1  }
0x13d: {  	[tilespmem:s2], [sflag:s0] =	stream.indirect_vreg.gather @!p0 [hbm4b:s7+s3], $0x80, v4, vm1, $0xb8;
	[tilespmem:$0x19000] =	vst v63  }
0x13e: {  	s2 =	sor.u32 @!p0 $0x3000, s1  }
0x13f: {  	v5 =	vor.u32 @!p0 $0x8, v5;
	[tilespmem:s2], [sflag:s0] =	stream.indirect_vreg.gather @!p0 [hbm4b:s8+s3], $0x80, v4, vm1, $0xb8;
	[tilespmem:$0x19000] =	vst v63  }
0x140: {  	v3 =	vperm.xlane @!p0 v3, v5;
	s2 =	sor.u32 @!p0 $0x3800, s1  }
0x141: {  	[tilespmem:s2], [sflag:s0] =	stream.indirect_vreg.gather @!p0 [hbm4b:s9+s3], $0x80, v4, vm1, $0xb8;
	[tilespmem:$0x19000] =	vst v63  }
0x142: {  	v3 =	vadd.s32 @!p0 v6, v3;
	s2 =	sor.u32 @!p0 $0x4000, s1  }
0x143: {  	[tilespmem:s2], [sflag:s0] =	stream.indirect_vreg.gather @!p0 [hbm4b:s10+s3], $0x80, v4, vm1, $0xb8;
	[tilespmem:$0x19000] =	vst v63  }
0x144: {  	s2 =	sor.u32 @!p0 $0x4800, s1  }
0x145: {  	[tilespmem:s2], [sflag:s0] =	stream.indirect_vreg.gather @!p0 [hbm4b:s11+s3], $0x80, v4, vm1, $0xb8;
	[tilespmem:$0x19000] =	vst v63  }
0x146: {  	s2 =	sor.u32 @!p0 $0x5000, s1  }
0x147: {  	[tilespmem:s2], [sflag:s0] =	stream.indirect_vreg.gather @!p0 [hbm4b:s12+s3], $0x80, v3, vm1, $0xb8;
	[tilespmem:$0x19000] =	vst v63  }
0x148: {  	s2 =	sor.u32 @!p0 $0x5800, s1  }
0x149: {  	[tilespmem:s2], [sflag:s0] =	stream.indirect_vreg.gather @!p0 [hbm4b:s13+s3], $0x80, v3, vm1, $0xb8;
	[tilespmem:$0x19000] =	vst v63  }
0x14a: {  	s2 =	sor.u32 @!p0 $0x6000, s1  }
0x14b: {  	[tilespmem:s2], [sflag:s0] =	stream.indirect_vreg.gather @!p0 [hbm4b:s6+s3], $0x80, v3, vm1, $0xb8;
	[tilespmem:$0x19000] =	vst v63  }
0x14c: {  	s2 =	sor.u32 @!p0 $0x6800, s1  }
0x14d: {  	[tilespmem:s2], [sflag:s0] =	stream.indirect_vreg.gather @!p0 [hbm4b:s7+s3], $0x80, v3, vm1, $0xb8;
	[tilespmem:$0x19000] =	vst v63  }
0x14e: {  	s2 =	sor.u32 @!p0 $0x7000, s1  }
0x14f: {  	[tilespmem:s2], [sflag:s0] =	stream.indirect_vreg.gather @!p0 [hbm4b:s8+s3], $0x80, v3, vm1, $0xb8;
	[tilespmem:$0x19000] =	vst v63  }
0x150: {  	s2 =	sor.u32 @!p0 $0x7800, s1  }
0x151: {  	[tilespmem:s2], [sflag:s0] =	stream.indirect_vreg.gather @!p0 [hbm4b:s9+s3], $0x80, v3, vm1, $0xb8;
	[tilespmem:$0x19000] =	vst v63  }
0x152: {  	s2 =	sadd.s32 @!p0 $0x8000, s1  }
0x153: {  	[tilespmem:s2], [sflag:s0] =	stream.indirect_vreg.gather @!p0 [hbm4b:s10+s3], $0x80, v3, vm1, $0xb8;
	[tilespmem:$0x19000] =	vst v63  }
0x154: {  	s30 =	rddreg [dreg:$0x9];
	s1 =	sadd.s32 @!p0 $0x8800, s1  }
0x155: {  	[tilespmem:s1], [sflag:s0] =	stream.indirect_vreg.gather @!p0 [hbm4b:s11+s3], $0x80, v3, vm1, $0xb8;
	[tilespmem:$0x19000] =	vst v63  }
0x156: {  	s31 =	rddreg [dreg:$0x7];
	s1 =	sadd.s32 $0x1, s30  }
0x157: {  	p0 =	sne.s32 s1, s31  }
.Ltmp1:
0x158: {  	_ = 	snop;
	(pc) =	sbr.rel @p0 .LBB2_1-.Ltmp1, $1  }
0x159: {  	_ =	sdelay $0x3  }
0x15a: {  	_ =	sfence.sel $0x180000  }
0x15b: {  	[bflag:$0x0] =	sbarrier.arrive $0xFFFF  }
0x15c: {  	_ =	strace $0x90000047  }
0x15d: {  	s0 =	stileid.u32;
	[bflag:$0x2] =	sbarrier.arrive $0xFFFF  }
0x15e: {  	p0 =	sne.s32 s0, $0x0;
	s0 =	rddreg [dreg:$0x3]  }
0x15f: {  	s0 =	sadd.s32 @!p0 $0x100000, s0  }
0x160: {  	[sflag:s0] =	ssyncadd.tile.s32 @!p0 $0x1;
	_ =	shalt  }
.Lfunc_end2:
_tile_overlayer_lowered:
.L_overlay_start_2:
0x161: {  	(tag) =	ssettag $0x2  }
0x162: {  	s0 =	rddreg [dreg:$0x0];
	s2 =	stileid.u32  }
0x163: {  	s1 =	rddreg [dreg:$0x1];
	p0 =	sne.s32 s2, $0x0  }
0x164: {  	s3 =	rddreg [dreg:$0x2];
	[bflag:$0x3] =	sbarrier.arrive $0xFFFF;
	s2 =	simm.s32 @!p0 $0x1C07  }
0x165: {  	[timem:s3], [sflag:s2] =	dma.local @!p0 [hbm:s0], s1  }
0x166: {  	s0 =	simm.s32 @!p0 $0x7  }
0x167: {  	_ =	swait.ge @!p0 [sflag:s0], s1  }
0x168: {  	s1 =	ssub.s32 @!p0 $0x0, s1;
	[sflag:s0] =	ssyncset.done @!p0 $0x0  }
0x169: {  	[sflag:s0] =	ssyncadd.s32 @!p0 s1  }
0x16a: {  	[bflag:$0x3] =	sbarrier.arrive $0xFFFF  }
0x16b: {  	_ =	shalt  }

</sc_bundles>
